<compile_context>
chip_gen: v7x
topology: tpu7x:2x2x1
jax: 0.10.2.dev20260603
libtpu: 0.0.44.dev20260713+nightly
codegen_flags: <defaults>
</compile_context>

<pallas_src>
import functools

import jax
import jax.numpy as jnp
from jax import lax
from jax.experimental import pallas as pl
from jax.experimental.pallas import tpu as pltpu
from jax.experimental.pallas import tpu_sc as plsc

CHUNK = 128
NBUF = 8


def _gather_call(idx3, table, n_workers, n_chunks, embed_dim):
    num_cores = plsc.get_sparse_core_info().num_cores
    b_per_w = n_chunks * CHUNK
    total = n_workers * b_per_w
    mesh = plsc.VectorSubcoreMesh(core_axis_name="c", subcore_axis_name="s")

    @functools.partial(
        pl.kernel,
        mesh=mesh,
        out_type=jax.ShapeDtypeStruct((total, embed_dim), jnp.float32),
        compiler_params=pltpu.CompilerParams(use_tc_tiling_on_sc=False),
        scratch_types=[
            pltpu.VMEM((n_chunks, CHUNK), jnp.int32),
            pltpu.VMEM((NBUF, CHUNK, embed_dim), jnp.float32),
            pltpu.SemaphoreType.DMA,
        ],
    )
    def body(idx_hbm, table_hbm, out_hbm, idx_v, rows_v, sem):
        wid = lax.axis_index("s") * num_cores + lax.axis_index("c")
        base = wid * b_per_w
        pltpu.sync_copy(idx_hbm.at[wid], idx_v)
        for b in range(NBUF):
            pltpu.async_copy(table_hbm.at[idx_v.at[b]], rows_v.at[b], sem)
        n_groups = n_chunks // NBUF

        def group(g, carry):
            for b in range(NBUF):
                j = g * NBUF + b
                pltpu.make_async_copy(
                    table_hbm.at[idx_v.at[j]], rows_v.at[b], sem
                ).wait()
                pltpu.sync_copy(
                    rows_v.at[b], out_hbm.at[pl.ds(base + j * CHUNK, CHUNK)]
                )
                pltpu.async_copy(
                    table_hbm.at[idx_v.at[j + NBUF]], rows_v.at[b], sem
                )
            return carry

        lax.fori_loop(0, n_groups - 1, group, 0)
        for b in range(NBUF):
            j = (n_groups - 1) * NBUF + b
            pltpu.make_async_copy(
                table_hbm.at[idx_v.at[j]], rows_v.at[b], sem
            ).wait()
            pltpu.sync_copy(
                rows_v.at[b], out_hbm.at[pl.ds(base + j * CHUNK, CHUNK)]
            )

    return body(idx3, table)


def kernel(indices, table):
    original_shape = indices.shape
    embed_dim = table.shape[1]
    flat = indices.reshape(-1).astype(jnp.int32)
    info = plsc.get_sparse_core_info()
    n_workers = info.num_cores * info.num_subcores
    n_chunks = flat.size // (n_workers * CHUNK)
    idx3 = flat.reshape(n_workers, n_chunks, CHUNK)
    out = _gather_call(idx3, table, n_workers, n_chunks, embed_dim)
    return out.reshape(original_shape + (embed_dim,))

# --- scband reference (transcript-rebuilt; emitter-appended) ---
"""Pipeline reference for scband-hierarchical-hash-embedding-45002667327560 (READ-ONLY COPY).

The authoritative reference and input builder live on the scoring server;
editing this copy changes nothing except your own understanding.
"""

import jax, jax.numpy as jnp
import numpy as np

EMBED_DIM = 64
VOCAB = 1000000

def setup_inputs(seed: int = 0) -> dict:
    key = jax.random.key(seed)
    k1, k2 = jax.random.split(key)
    indices = jax.random.randint(k1, (16384, 50), 0, VOCAB, dtype=jnp.int64)
    # Hash-table backing store modeled as a dense table; init_std = 0.1 * (2.0 / embedding_dim)
    init_std = 0.1 * (2.0 / EMBED_DIM)
    table = jax.random.normal(k2, (VOCAB, EMBED_DIM), dtype=jnp.float32) * init_std
    return {"indices": indices, "table": table}

def reference(indices, table):
    # Faithful to HKVEmbeddingFunction.forward: unique -> lookup uniques -> gather back via inverse
    original_shape = indices.shape
    flat = indices.reshape(-1)
    unique_indices, inverse_indices = jnp.unique(
        flat, return_inverse=True, size=flat.size, fill_value=0
    )
    inverse_indices = inverse_indices.reshape(-1)
    unique_embeddings = jnp.take(table, unique_indices, axis=0)
    embeddings = jnp.take(unique_embeddings, inverse_indices, axis=0)
    return embeddings.reshape(original_shape + (table.shape[1],))

if __name__ == "__main__":
    import jax
    _d = setup_inputs()
    print(jax.jit(kernel)(*tuple(_d.values())))

</pallas_src>

<mosaic_0001>
#map = affine_map<(d0, d1) -> (0, 0, 0)>
#map1 = affine_map<(d0, d1) -> (0, 0)>
module attributes {stable_mosaic.version = 14 : i64} {
  func.func @body(%arg0: i32, %arg1: i32, %arg2: memref<32x200x128xi32, #tpu.memory_space<hbm>>, %arg3: memref<1000000x64xf32, #tpu.memory_space<hbm>>, %arg4: memref<819200x64xf32, #tpu.memory_space<hbm>>, %arg5: memref<200x128xi32, #tpu.memory_space<vmem>>, %arg6: memref<8x128x64xf32, #tpu.memory_space<vmem>>, %arg7: memref<!tpu.dma_semaphore, #tpu.memory_space<semaphore_mem>>) attributes {dimension_semantics = [#tpu.dimension_semantics<core_parallel>, #tpu.dimension_semantics<subcore_parallel>], iteration_bounds = array<i64: 2, 16>, scalar_prefetch = 0 : i64, scratch_operands = 3 : i64, tpu.core_type = #tpu.core_type<sc_vector_subcore>, window_params = [{transform_indices = #map}, {transform_indices = #map1}, {transform_indices = #map1}]} {
    %mul3A = arith.constant 2 : i32
    %mul3A_0 = arith.muli %arg1, %mul3A : i32
    %add3A = arith.addi %mul3A_0, %arg0 : i32
    %mul3A_1 = arith.constant 25600 : i32
    %mul3A_2 = arith.muli %add3A, %mul3A_1 : i32
    "tpu.region"() ({
      %run_scoped3A_221 = tpu.sem_alloc : memref<!tpu.dma_semaphore, #tpu.memory_space<semaphore_mem>>
      %dma_start3A_222 = arith.constant 0 : i32
      %dma_start3A_223 = arith.constant 0 : i32
      %dma_start3A_224 = tpu.memref_slice %arg2[%add3A, %dma_start3A_222, %dma_start3A_223] : memref<32x200x128xi32, #tpu.memory_space<hbm>> -> memref<1x200x128xi32, #tpu.memory_space<hbm>>
      %dma_start3A_225 = tpu.memref_squeeze %dma_start3A_224 : memref<1x200x128xi32, #tpu.memory_space<hbm>> -> memref<200x128xi32, #tpu.memory_space<hbm>>
      %dma_start3A_226 = arith.constant 0 : i32
      %dma_start3A_227 = arith.constant 0 : i32
      %dma_start3A_228 = tpu.memref_slice %arg2[%add3A, %dma_start3A_226, %dma_start3A_227] : memref<32x200x128xi32, #tpu.memory_space<hbm>> -> memref<1x200x128xi32, #tpu.memory_space<hbm>>
      %dma_start3A_229 = tpu.memref_squeeze %dma_start3A_228 : memref<1x200x128xi32, #tpu.memory_space<hbm>> -> memref<200x128xi32, #tpu.memory_space<hbm>>
      tpu.enqueue_dma source(%dma_start3A_229 : memref<200x128xi32, #tpu.memory_space<hbm>>) target(%arg5 : memref<200x128xi32, #tpu.memory_space<vmem>>) target_semaphore(%run_scoped3A_221 : memref<!tpu.dma_semaphore, #tpu.memory_space<semaphore_mem>>)
      %dma_wait3A_230 = arith.constant 0 : i32
      %dma_wait3A_231 = arith.constant 0 : i32
      %dma_wait3A_232 = tpu.memref_slice %arg2[%add3A, %dma_wait3A_230, %dma_wait3A_231] : memref<32x200x128xi32, #tpu.memory_space<hbm>> -> memref<1x200x128xi32, #tpu.memory_space<hbm>>
      %dma_wait3A_233 = tpu.memref_squeeze %dma_wait3A_232 : memref<1x200x128xi32, #tpu.memory_space<hbm>> -> memref<200x128xi32, #tpu.memory_space<hbm>>
      %dma_wait3A_234 = arith.constant 0 : i32
      %dma_wait3A_235 = arith.constant 0 : i32
      %dma_wait3A_236 = tpu.memref_slice %arg2[%add3A, %dma_wait3A_234, %dma_wait3A_235] : memref<32x200x128xi32, #tpu.memory_space<hbm>> -> memref<1x200x128xi32, #tpu.memory_space<hbm>>
      %dma_wait3A_237 = tpu.memref_squeeze %dma_wait3A_236 : memref<1x200x128xi32, #tpu.memory_space<hbm>> -> memref<200x128xi32, #tpu.memory_space<hbm>>
      tpu.wait_dma2 semaphore(%run_scoped3A_221 : memref<!tpu.dma_semaphore, #tpu.memory_space<semaphore_mem>>) src(%dma_wait3A_237 : memref<200x128xi32, #tpu.memory_space<hbm>>) dst(%arg5 : memref<200x128xi32, #tpu.memory_space<vmem>>)
      tpu.yield
    }) : () -> ()
    %dma_start3A = arith.constant 0 : i32
    %dma_start3A_3 = arith.constant 0 : i32
    %dma_start3A_4 = arith.constant 0 : i32
    %dma_start3A_5 = arith.constant 0 : i32
    %dma_start3A_6 = tpu.memref_slice %arg6[%dma_start3A_3, %dma_start3A_4, %dma_start3A_5] : memref<8x128x64xf32, #tpu.memory_space<vmem>> -> memref<1x128x64xf32, #tpu.memory_space<vmem>>
    %dma_start3A_7 = tpu.memref_squeeze %dma_start3A_6 : memref<1x128x64xf32, #tpu.memory_space<vmem>> -> memref<128x64xf32, #tpu.memory_space<vmem>>
    %dma_start3A_8 = arith.constant 0 : i32
    %dma_start3A_9 = tpu.memref_slice %arg5[%dma_start3A, %dma_start3A_8] : memref<200x128xi32, #tpu.memory_space<vmem>> -> memref<1x128xi32, #tpu.memory_space<vmem>>
    %dma_start3A_10 = tpu.memref_squeeze %dma_start3A_9 : memref<1x128xi32, #tpu.memory_space<vmem>> -> memref<128xi32, #tpu.memory_space<vmem>>
    %dma_start3A_11 = arith.constant 0 : i32
    %dma_start3A_12 = arith.constant 0 : i32
    %dma_start3A_13 = tpu.memref_slice %arg3[%dma_start3A_11, %dma_start3A_12] : memref<1000000x64xf32, #tpu.memory_space<hbm>> -> memref<1000000x64xf32, #tpu.memory_space<hbm>>
    tpu.enqueue_indirect_dma source(%dma_start3A_13 : memref<1000000x64xf32, #tpu.memory_space<hbm>>) target(%dma_start3A_7 : memref<128x64xf32, #tpu.memory_space<vmem>>) offsets(%dma_start3A_10 : memref<128xi32, #tpu.memory_space<vmem>>) semaphore(%arg7 : memref<!tpu.dma_semaphore, #tpu.memory_space<semaphore_mem>>)
    %dma_start3A_14 = arith.constant 1 : i32
    %dma_start3A_15 = arith.constant 1 : i32
    %dma_start3A_16 = arith.constant 0 : i32
    %dma_start3A_17 = arith.constant 0 : i32
    %dma_start3A_18 = tpu.memref_slice %arg6[%dma_start3A_15, %dma_start3A_16, %dma_start3A_17] : memref<8x128x64xf32, #tpu.memory_space<vmem>> -> memref<1x128x64xf32, #tpu.memory_space<vmem>>
    %dma_start3A_19 = tpu.memref_squeeze %dma_start3A_18 : memref<1x128x64xf32, #tpu.memory_space<vmem>> -> memref<128x64xf32, #tpu.memory_space<vmem>>
    %dma_start3A_20 = arith.constant 0 : i32
    %dma_start3A_21 = tpu.memref_slice %arg5[%dma_start3A_14, %dma_start3A_20] : memref<200x128xi32, #tpu.memory_space<vmem>> -> memref<1x128xi32, #tpu.memory_space<vmem>>
    %dma_start3A_22 = tpu.memref_squeeze %dma_start3A_21 : memref<1x128xi32, #tpu.memory_space<vmem>> -> memref<128xi32, #tpu.memory_space<vmem>>
    %dma_start3A_23 = arith.constant 0 : i32
    %dma_start3A_24 = arith.constant 0 : i32
    %dma_start3A_25 = tpu.memref_slice %arg3[%dma_start3A_23, %dma_start3A_24] : memref<1000000x64xf32, #tpu.memory_space<hbm>> -> memref<1000000x64xf32, #tpu.memory_space<hbm>>
    tpu.enqueue_indirect_dma source(%dma_start3A_25 : memref<1000000x64xf32, #tpu.memory_space<hbm>>) target(%dma_start3A_19 : memref<128x64xf32, #tpu.memory_space<vmem>>) offsets(%dma_start3A_22 : memref<128xi32, #tpu.memory_space<vmem>>) semaphore(%arg7 : memref<!tpu.dma_semaphore, #tpu.memory_space<semaphore_mem>>)
    %dma_start3A_26 = arith.constant 2 : i32
    %dma_start3A_27 = arith.constant 2 : i32
    %dma_start3A_28 = arith.constant 0 : i32
    %dma_start3A_29 = arith.constant 0 : i32
    %dma_start3A_30 = tpu.memref_slice %arg6[%dma_start3A_27, %dma_start3A_28, %dma_start3A_29] : memref<8x128x64xf32, #tpu.memory_space<vmem>> -> memref<1x128x64xf32, #tpu.memory_space<vmem>>
    %dma_start3A_31 = tpu.memref_squeeze %dma_start3A_30 : memref<1x128x64xf32, #tpu.memory_space<vmem>> -> memref<128x64xf32, #tpu.memory_space<vmem>>
    %dma_start3A_32 = arith.constant 0 : i32
    %dma_start3A_33 = tpu.memref_slice %arg5[%dma_start3A_26, %dma_start3A_32] : memref<200x128xi32, #tpu.memory_space<vmem>> -> memref<1x128xi32, #tpu.memory_space<vmem>>
    %dma_start3A_34 = tpu.memref_squeeze %dma_start3A_33 : memref<1x128xi32, #tpu.memory_space<vmem>> -> memref<128xi32, #tpu.memory_space<vmem>>
    %dma_start3A_35 = arith.constant 0 : i32
    %dma_start3A_36 = arith.constant 0 : i32
    %dma_start3A_37 = tpu.memref_slice %arg3[%dma_start3A_35, %dma_start3A_36] : memref<1000000x64xf32, #tpu.memory_space<hbm>> -> memref<1000000x64xf32, #tpu.memory_space<hbm>>
    tpu.enqueue_indirect_dma source(%dma_start3A_37 : memref<1000000x64xf32, #tpu.memory_space<hbm>>) target(%dma_start3A_31 : memref<128x64xf32, #tpu.memory_space<vmem>>) offsets(%dma_start3A_34 : memref<128xi32, #tpu.memory_space<vmem>>) semaphore(%arg7 : memref<!tpu.dma_semaphore, #tpu.memory_space<semaphore_mem>>)
    %dma_start3A_38 = arith.constant 3 : i32
    %dma_start3A_39 = arith.constant 3 : i32
    %dma_start3A_40 = arith.constant 0 : i32
    %dma_start3A_41 = arith.constant 0 : i32
    %dma_start3A_42 = tpu.memref_slice %arg6[%dma_start3A_39, %dma_start3A_40, %dma_start3A_41] : memref<8x128x64xf32, #tpu.memory_space<vmem>> -> memref<1x128x64xf32, #tpu.memory_space<vmem>>
    %dma_start3A_43 = tpu.memref_squeeze %dma_start3A_42 : memref<1x128x64xf32, #tpu.memory_space<vmem>> -> memref<128x64xf32, #tpu.memory_space<vmem>>
    %dma_start3A_44 = arith.constant 0 : i32
    %dma_start3A_45 = tpu.memref_slice %arg5[%dma_start3A_38, %dma_start3A_44] : memref<200x128xi32, #tpu.memory_space<vmem>> -> memref<1x128xi32, #tpu.memory_space<vmem>>
    %dma_start3A_46 = tpu.memref_squeeze %dma_start3A_45 : memref<1x128xi32, #tpu.memory_space<vmem>> -> memref<128xi32, #tpu.memory_space<vmem>>
    %dma_start3A_47 = arith.constant 0 : i32
    %dma_start3A_48 = arith.constant 0 : i32
    %dma_start3A_49 = tpu.memref_slice %arg3[%dma_start3A_47, %dma_start3A_48] : memref<1000000x64xf32, #tpu.memory_space<hbm>> -> memref<1000000x64xf32, #tpu.memory_space<hbm>>
    tpu.enqueue_indirect_dma source(%dma_start3A_49 : memref<1000000x64xf32, #tpu.memory_space<hbm>>) target(%dma_start3A_43 : memref<128x64xf32, #tpu.memory_space<vmem>>) offsets(%dma_start3A_46 : memref<128xi32, #tpu.memory_space<vmem>>) semaphore(%arg7 : memref<!tpu.dma_semaphore, #tpu.memory_space<semaphore_mem>>)
    %dma_start3A_50 = arith.constant 4 : i32
    %dma_start3A_51 = arith.constant 4 : i32
    %dma_start3A_52 = arith.constant 0 : i32
    %dma_start3A_53 = arith.constant 0 : i32
    %dma_start3A_54 = tpu.memref_slice %arg6[%dma_start3A_51, %dma_start3A_52, %dma_start3A_53] : memref<8x128x64xf32, #tpu.memory_space<vmem>> -> memref<1x128x64xf32, #tpu.memory_space<vmem>>
    %dma_start3A_55 = tpu.memref_squeeze %dma_start3A_54 : memref<1x128x64xf32, #tpu.memory_space<vmem>> -> memref<128x64xf32, #tpu.memory_space<vmem>>
    %dma_start3A_56 = arith.constant 0 : i32
    %dma_start3A_57 = tpu.memref_slice %arg5[%dma_start3A_50, %dma_start3A_56] : memref<200x128xi32, #tpu.memory_space<vmem>> -> memref<1x128xi32, #tpu.memory_space<vmem>>
    %dma_start3A_58 = tpu.memref_squeeze %dma_start3A_57 : memref<1x128xi32, #tpu.memory_space<vmem>> -> memref<128xi32, #tpu.memory_space<vmem>>
    %dma_start3A_59 = arith.constant 0 : i32
    %dma_start3A_60 = arith.constant 0 : i32
    %dma_start3A_61 = tpu.memref_slice %arg3[%dma_start3A_59, %dma_start3A_60] : memref<1000000x64xf32, #tpu.memory_space<hbm>> -> memref<1000000x64xf32, #tpu.memory_space<hbm>>
    tpu.enqueue_indirect_dma source(%dma_start3A_61 : memref<1000000x64xf32, #tpu.memory_space<hbm>>) target(%dma_start3A_55 : memref<128x64xf32, #tpu.memory_space<vmem>>) offsets(%dma_start3A_58 : memref<128xi32, #tpu.memory_space<vmem>>) semaphore(%arg7 : memref<!tpu.dma_semaphore, #tpu.memory_space<semaphore_mem>>)
    %dma_start3A_62 = arith.constant 5 : i32
    %dma_start3A_63 = arith.constant 5 : i32
    %dma_start3A_64 = arith.constant 0 : i32
    %dma_start3A_65 = arith.constant 0 : i32
    %dma_start3A_66 = tpu.memref_slice %arg6[%dma_start3A_63, %dma_start3A_64, %dma_start3A_65] : memref<8x128x64xf32, #tpu.memory_space<vmem>> -> memref<1x128x64xf32, #tpu.memory_space<vmem>>
    %dma_start3A_67 = tpu.memref_squeeze %dma_start3A_66 : memref<1x128x64xf32, #tpu.memory_space<vmem>> -> memref<128x64xf32, #tpu.memory_space<vmem>>
    %dma_start3A_68 = arith.constant 0 : i32
    %dma_start3A_69 = tpu.memref_slice %arg5[%dma_start3A_62, %dma_start3A_68] : memref<200x128xi32, #tpu.memory_space<vmem>> -> memref<1x128xi32, #tpu.memory_space<vmem>>
    %dma_start3A_70 = tpu.memref_squeeze %dma_start3A_69 : memref<1x128xi32, #tpu.memory_space<vmem>> -> memref<128xi32, #tpu.memory_space<vmem>>
    %dma_start3A_71 = arith.constant 0 : i32
    %dma_start3A_72 = arith.constant 0 : i32
    %dma_start3A_73 = tpu.memref_slice %arg3[%dma_start3A_71, %dma_start3A_72] : memref<1000000x64xf32, #tpu.memory_space<hbm>> -> memref<1000000x64xf32, #tpu.memory_space<hbm>>
    tpu.enqueue_indirect_dma source(%dma_start3A_73 : memref<1000000x64xf32, #tpu.memory_space<hbm>>) target(%dma_start3A_67 : memref<128x64xf32, #tpu.memory_space<vmem>>) offsets(%dma_start3A_70 : memref<128xi32, #tpu.memory_space<vmem>>) semaphore(%arg7 : memref<!tpu.dma_semaphore, #tpu.memory_space<semaphore_mem>>)
    %dma_start3A_74 = arith.constant 6 : i32
    %dma_start3A_75 = arith.constant 6 : i32
    %dma_start3A_76 = arith.constant 0 : i32
    %dma_start3A_77 = arith.constant 0 : i32
    %dma_start3A_78 = tpu.memref_slice %arg6[%dma_start3A_75, %dma_start3A_76, %dma_start3A_77] : memref<8x128x64xf32, #tpu.memory_space<vmem>> -> memref<1x128x64xf32, #tpu.memory_space<vmem>>
    %dma_start3A_79 = tpu.memref_squeeze %dma_start3A_78 : memref<1x128x64xf32, #tpu.memory_space<vmem>> -> memref<128x64xf32, #tpu.memory_space<vmem>>
    %dma_start3A_80 = arith.constant 0 : i32
    %dma_start3A_81 = tpu.memref_slice %arg5[%dma_start3A_74, %dma_start3A_80] : memref<200x128xi32, #tpu.memory_space<vmem>> -> memref<1x128xi32, #tpu.memory_space<vmem>>
    %dma_start3A_82 = tpu.memref_squeeze %dma_start3A_81 : memref<1x128xi32, #tpu.memory_space<vmem>> -> memref<128xi32, #tpu.memory_space<vmem>>
    %dma_start3A_83 = arith.constant 0 : i32
    %dma_start3A_84 = arith.constant 0 : i32
    %dma_start3A_85 = tpu.memref_slice %arg3[%dma_start3A_83, %dma_start3A_84] : memref<1000000x64xf32, #tpu.memory_space<hbm>> -> memref<1000000x64xf32, #tpu.memory_space<hbm>>
    tpu.enqueue_indirect_dma source(%dma_start3A_85 : memref<1000000x64xf32, #tpu.memory_space<hbm>>) target(%dma_start3A_79 : memref<128x64xf32, #tpu.memory_space<vmem>>) offsets(%dma_start3A_82 : memref<128xi32, #tpu.memory_space<vmem>>) semaphore(%arg7 : memref<!tpu.dma_semaphore, #tpu.memory_space<semaphore_mem>>)
    %dma_start3A_86 = arith.constant 7 : i32
    %dma_start3A_87 = arith.constant 7 : i32
    %dma_start3A_88 = arith.constant 0 : i32
    %dma_start3A_89 = arith.constant 0 : i32
    %dma_start3A_90 = tpu.memref_slice %arg6[%dma_start3A_87, %dma_start3A_88, %dma_start3A_89] : memref<8x128x64xf32, #tpu.memory_space<vmem>> -> memref<1x128x64xf32, #tpu.memory_space<vmem>>
    %dma_start3A_91 = tpu.memref_squeeze %dma_start3A_90 : memref<1x128x64xf32, #tpu.memory_space<vmem>> -> memref<128x64xf32, #tpu.memory_space<vmem>>
    %dma_start3A_92 = arith.constant 0 : i32
    %dma_start3A_93 = tpu.memref_slice %arg5[%dma_start3A_86, %dma_start3A_92] : memref<200x128xi32, #tpu.memory_space<vmem>> -> memref<1x128xi32, #tpu.memory_space<vmem>>
    %dma_start3A_94 = tpu.memref_squeeze %dma_start3A_93 : memref<1x128xi32, #tpu.memory_space<vmem>> -> memref<128xi32, #tpu.memory_space<vmem>>
    %dma_start3A_95 = arith.constant 0 : i32
    %dma_start3A_96 = arith.constant 0 : i32
    %dma_start3A_97 = tpu.memref_slice %arg3[%dma_start3A_95, %dma_start3A_96] : memref<1000000x64xf32, #tpu.memory_space<hbm>> -> memref<1000000x64xf32, #tpu.memory_space<hbm>>
    tpu.enqueue_indirect_dma source(%dma_start3A_97 : memref<1000000x64xf32, #tpu.memory_space<hbm>>) target(%dma_start3A_91 : memref<128x64xf32, #tpu.memory_space<vmem>>) offsets(%dma_start3A_94 : memref<128xi32, #tpu.memory_space<vmem>>) semaphore(%arg7 : memref<!tpu.dma_semaphore, #tpu.memory_space<semaphore_mem>>)
    %scan3A = arith.constant 0 : i32
    %scan3A_98 = arith.constant 0 : i32
    %scan3A_99 = arith.constant 24 : i32
    %scan3A_100 = arith.addi %scan3A_98, %scan3A_99 : i32
    %scan3A_101 = arith.constant 1 : i32
    scf.for %scan3A_221 = %scan3A_98 to %scan3A_100 step %scan3A_101  : i32 {
      %mul3A_222 = arith.constant 8 : i32
      %mul3A_223 = arith.muli %scan3A_221, %mul3A_222 : i32
      %add3A_224 = arith.constant 0 : i32
      %add3A_225 = arith.addi %mul3A_223, %add3A_224 : i32
      %dma_wait3A_226 = arith.constant 0 : i32
      %dma_wait3A_227 = arith.constant 0 : i32
      %dma_wait3A_228 = arith.constant 0 : i32
      %dma_wait3A_229 = tpu.memref_slice %arg6[%dma_wait3A_226, %dma_wait3A_227, %dma_wait3A_228] : memref<8x128x64xf32, #tpu.memory_space<vmem>> -> memref<1x128x64xf32, #tpu.memory_space<vmem>>
      %dma_wait3A_230 = tpu.memref_squeeze %dma_wait3A_229 : memref<1x128x64xf32, #tpu.memory_space<vmem>> -> memref<128x64xf32, #tpu.memory_space<vmem>>
      %dma_wait3A_231 = arith.constant 0 : i32
      %dma_wait3A_232 = tpu.memref_slice %arg5[%add3A_225, %dma_wait3A_231] : memref<200x128xi32, #tpu.memory_space<vmem>> -> memref<1x128xi32, #tpu.memory_space<vmem>>
      %dma_wait3A_233 = tpu.memref_squeeze %dma_wait3A_232 : memref<1x128xi32, #tpu.memory_space<vmem>> -> memref<128xi32, #tpu.memory_space<vmem>>
      %dma_wait3A_234 = arith.constant 0 : i32
      %dma_wait3A_235 = arith.constant 0 : i32
      %dma_wait3A_236 = tpu.memref_slice %arg3[%dma_wait3A_234, %dma_wait3A_235] : memref<1000000x64xf32, #tpu.memory_space<hbm>> -> memref<1000000x64xf32, #tpu.memory_space<hbm>>
      tpu.wait_indirect_dma semaphore(%arg7 : memref<!tpu.dma_semaphore, #tpu.memory_space<semaphore_mem>>) src(%dma_wait3A_236 : memref<1000000x64xf32, #tpu.memory_space<hbm>>) dst(%dma_wait3A_230 : memref<128x64xf32, #tpu.memory_space<vmem>>)
      %mul3A_237 = arith.constant 128 : i32
      %mul3A_238 = arith.muli %add3A_225, %mul3A_237 : i32
      %add3A_239 = arith.addi %mul3A_2, %mul3A_238 : i32
      %run_scoped3A_240 = arith.constant 0 : i32
      "tpu.region"() ({
        %run_scoped3A_478 = tpu.sem_alloc : memref<!tpu.dma_semaphore, #tpu.memory_space<semaphore_mem>>
        %dma_start3A_479 = arith.constant 0 : i32
        %dma_start3A_480 = arith.constant 0 : i32
        %dma_start3A_481 = tpu.memref_slice %arg6[%run_scoped3A_240, %dma_start3A_479, %dma_start3A_480] : memref<8x128x64xf32, #tpu.memory_space<vmem>> -> memref<1x128x64xf32, #tpu.memory_space<vmem>>
        %dma_start3A_482 = tpu.memref_squeeze %dma_start3A_481 : memref<1x128x64xf32, #tpu.memory_space<vmem>> -> memref<128x64xf32, #tpu.memory_space<vmem>>
        %dma_start3A_483 = arith.constant 0 : i32
        %dma_start3A_484 = tpu.memref_slice %arg4[%add3A_239, %dma_start3A_483] : memref<819200x64xf32, #tpu.memory_space<hbm>> -> memref<128x64xf32, #tpu.memory_space<hbm>>
        %dma_start3A_485 = arith.constant 0 : i32
        %dma_start3A_486 = tpu.memref_slice %arg4[%add3A_239, %dma_start3A_485] : memref<819200x64xf32, #tpu.memory_space<hbm>> -> memref<128x64xf32, #tpu.memory_space<hbm>>
        %dma_start3A_487 = arith.constant 0 : i32
        %dma_start3A_488 = arith.constant 0 : i32
        %dma_start3A_489 = tpu.memref_slice %arg6[%run_scoped3A_240, %dma_start3A_487, %dma_start3A_488] : memref<8x128x64xf32, #tpu.memory_space<vmem>> -> memref<1x128x64xf32, #tpu.memory_space<vmem>>
        %dma_start3A_490 = tpu.memref_squeeze %dma_start3A_489 : memref<1x128x64xf32, #tpu.memory_space<vmem>> -> memref<128x64xf32, #tpu.memory_space<vmem>>
        tpu.enqueue_dma source(%dma_start3A_490 : memref<128x64xf32, #tpu.memory_space<vmem>>) target(%dma_start3A_486 : memref<128x64xf32, #tpu.memory_space<hbm>>) target_semaphore(%run_scoped3A_478 : memref<!tpu.dma_semaphore, #tpu.memory_space<semaphore_mem>>)
        %dma_wait3A_491 = arith.constant 0 : i32
        %dma_wait3A_492 = arith.constant 0 : i32
        %dma_wait3A_493 = tpu.memref_slice %arg6[%run_scoped3A_240, %dma_wait3A_491, %dma_wait3A_492] : memref<8x128x64xf32, #tpu.memory_space<vmem>> -> memref<1x128x64xf32, #tpu.memory_space<vmem>>
        %dma_wait3A_494 = tpu.memref_squeeze %dma_wait3A_493 : memref<1x128x64xf32, #tpu.memory_space<vmem>> -> memref<128x64xf32, #tpu.memory_space<vmem>>
        %dma_wait3A_495 = arith.constant 0 : i32
        %dma_wait3A_496 = tpu.memref_slice %arg4[%add3A_239, %dma_wait3A_495] : memref<819200x64xf32, #tpu.memory_space<hbm>> -> memref<128x64xf32, #tpu.memory_space<hbm>>
        %dma_wait3A_497 = arith.constant 0 : i32
        %dma_wait3A_498 = tpu.memref_slice %arg4[%add3A_239, %dma_wait3A_497] : memref<819200x64xf32, #tpu.memory_space<hbm>> -> memref<128x64xf32, #tpu.memory_space<hbm>>
        %dma_wait3A_499 = arith.constant 0 : i32
        %dma_wait3A_500 = arith.constant 0 : i32
        %dma_wait3A_501 = tpu.memref_slice %arg6[%run_scoped3A_240, %dma_wait3A_499, %dma_wait3A_500] : memref<8x128x64xf32, #tpu.memory_space<vmem>> -> memref<1x128x64xf32, #tpu.memory_space<vmem>>
        %dma_wait3A_502 = tpu.memref_squeeze %dma_wait3A_501 : memref<1x128x64xf32, #tpu.memory_space<vmem>> -> memref<128x64xf32, #tpu.memory_space<vmem>>
        tpu.wait_dma2 semaphore(%run_scoped3A_478 : memref<!tpu.dma_semaphore, #tpu.memory_space<semaphore_mem>>) src(%dma_wait3A_502 : memref<128x64xf32, #tpu.memory_space<vmem>>) dst(%dma_wait3A_498 : memref<128x64xf32, #tpu.memory_space<hbm>>)
        tpu.yield
      }) : () -> ()
      %add3A_241 = arith.constant 8 : i32
      %add3A_242 = arith.addi %add3A_225, %add3A_241 : i32
      %dma_start3A_243 = arith.constant 0 : i32
      %dma_start3A_244 = arith.constant 0 : i32
      %dma_start3A_245 = arith.constant 0 : i32
      %dma_start3A_246 = tpu.memref_slice %arg6[%dma_start3A_243, %dma_start3A_244, %dma_start3A_245] : memref<8x128x64xf32, #tpu.memory_space<vmem>> -> memref<1x128x64xf32, #tpu.memory_space<vmem>>
      %dma_start3A_247 = tpu.memref_squeeze %dma_start3A_246 : memref<1x128x64xf32, #tpu.memory_space<vmem>> -> memref<128x64xf32, #tpu.memory_space<vmem>>
      %dma_start3A_248 = arith.constant 0 : i32
      %dma_start3A_249 = tpu.memref_slice %arg5[%add3A_242, %dma_start3A_248] : memref<200x128xi32, #tpu.memory_space<vmem>> -> memref<1x128xi32, #tpu.memory_space<vmem>>
      %dma_start3A_250 = tpu.memref_squeeze %dma_start3A_249 : memref<1x128xi32, #tpu.memory_space<vmem>> -> memref<128xi32, #tpu.memory_space<vmem>>
      %dma_start3A_251 = arith.constant 0 : i32
      %dma_start3A_252 = arith.constant 0 : i32
      %dma_start3A_253 = tpu.memref_slice %arg3[%dma_start3A_251, %dma_start3A_252] : memref<1000000x64xf32, #tpu.memory_space<hbm>> -> memref<1000000x64xf32, #tpu.memory_space<hbm>>
      tpu.enqueue_indirect_dma source(%dma_start3A_253 : memref<1000000x64xf32, #tpu.memory_space<hbm>>) target(%dma_start3A_247 : memref<128x64xf32, #tpu.memory_space<vmem>>) offsets(%dma_start3A_250 : memref<128xi32, #tpu.memory_space<vmem>>) semaphore(%arg7 : memref<!tpu.dma_semaphore, #tpu.memory_space<semaphore_mem>>)
      %mul3A_254 = arith.constant 8 : i32
      %mul3A_255 = arith.muli %scan3A_221, %mul3A_254 : i32
      %add3A_256 = arith.constant 1 : i32
      %add3A_257 = arith.addi %mul3A_255, %add3A_256 : i32
      %dma_wait3A_258 = arith.constant 1 : i32
      %dma_wait3A_259 = arith.constant 0 : i32
      %dma_wait3A_260 = arith.constant 0 : i32
      %dma_wait3A_261 = tpu.memref_slice %arg6[%dma_wait3A_258, %dma_wait3A_259, %dma_wait3A_260] : memref<8x128x64xf32, #tpu.memory_space<vmem>> -> memref<1x128x64xf32, #tpu.memory_space<vmem>>
      %dma_wait3A_262 = tpu.memref_squeeze %dma_wait3A_261 : memref<1x128x64xf32, #tpu.memory_space<vmem>> -> memref<128x64xf32, #tpu.memory_space<vmem>>
      %dma_wait3A_263 = arith.constant 0 : i32
      %dma_wait3A_264 = tpu.memref_slice %arg5[%add3A_257, %dma_wait3A_263] : memref<200x128xi32, #tpu.memory_space<vmem>> -> memref<1x128xi32, #tpu.memory_space<vmem>>
      %dma_wait3A_265 = tpu.memref_squeeze %dma_wait3A_264 : memref<1x128xi32, #tpu.memory_space<vmem>> -> memref<128xi32, #tpu.memory_space<vmem>>
      %dma_wait3A_266 = arith.constant 0 : i32
      %dma_wait3A_267 = arith.constant 0 : i32
      %dma_wait3A_268 = tpu.memref_slice %arg3[%dma_wait3A_266, %dma_wait3A_267] : memref<1000000x64xf32, #tpu.memory_space<hbm>> -> memref<1000000x64xf32, #tpu.memory_space<hbm>>
      tpu.wait_indirect_dma semaphore(%arg7 : memref<!tpu.dma_semaphore, #tpu.memory_space<semaphore_mem>>) src(%dma_wait3A_268 : memref<1000000x64xf32, #tpu.memory_space<hbm>>) dst(%dma_wait3A_262 : memref<128x64xf32, #tpu.memory_space<vmem>>)
      %mul3A_269 = arith.constant 128 : i32
      %mul3A_270 = arith.muli %add3A_257, %mul3A_269 : i32
      %add3A_271 = arith.addi %mul3A_2, %mul3A_270 : i32
      %run_scoped3A_272 = arith.constant 1 : i32
      "tpu.region"() ({
        %run_scoped3A_478 = tpu.sem_alloc : memref<!tpu.dma_semaphore, #tpu.memory_space<semaphore_mem>>
        %dma_start3A_479 = arith.constant 0 : i32
        %dma_start3A_480 = arith.constant 0 : i32
        %dma_start3A_481 = tpu.memref_slice %arg6[%run_scoped3A_272, %dma_start3A_479, %dma_start3A_480] : memref<8x128x64xf32, #tpu.memory_space<vmem>> -> memref<1x128x64xf32, #tpu.memory_space<vmem>>
        %dma_start3A_482 = tpu.memref_squeeze %dma_start3A_481 : memref<1x128x64xf32, #tpu.memory_space<vmem>> -> memref<128x64xf32, #tpu.memory_space<vmem>>
        %dma_start3A_483 = arith.constant 0 : i32
        %dma_start3A_484 = tpu.memref_slice %arg4[%add3A_271, %dma_start3A_483] : memref<819200x64xf32, #tpu.memory_space<hbm>> -> memref<128x64xf32, #tpu.memory_space<hbm>>
        %dma_start3A_485 = arith.constant 0 : i32
        %dma_start3A_486 = tpu.memref_slice %arg4[%add3A_271, %dma_start3A_485] : memref<819200x64xf32, #tpu.memory_space<hbm>> -> memref<128x64xf32, #tpu.memory_space<hbm>>
        %dma_start3A_487 = arith.constant 0 : i32
        %dma_start3A_488 = arith.constant 0 : i32
        %dma_start3A_489 = tpu.memref_slice %arg6[%run_scoped3A_272, %dma_start3A_487, %dma_start3A_488] : memref<8x128x64xf32, #tpu.memory_space<vmem>> -> memref<1x128x64xf32, #tpu.memory_space<vmem>>
        %dma_start3A_490 = tpu.memref_squeeze %dma_start3A_489 : memref<1x128x64xf32, #tpu.memory_space<vmem>> -> memref<128x64xf32, #tpu.memory_space<vmem>>
        tpu.enqueue_dma source(%dma_start3A_490 : memref<128x64xf32, #tpu.memory_space<vmem>>) target(%dma_start3A_486 : memref<128x64xf32, #tpu.memory_space<hbm>>) target_semaphore(%run_scoped3A_478 : memref<!tpu.dma_semaphore, #tpu.memory_space<semaphore_mem>>)
        %dma_wait3A_491 = arith.constant 0 : i32
        %dma_wait3A_492 = arith.constant 0 : i32
        %dma_wait3A_493 = tpu.memref_slice %arg6[%run_scoped3A_272, %dma_wait3A_491, %dma_wait3A_492] : memref<8x128x64xf32, #tpu.memory_space<vmem>> -> memref<1x128x64xf32, #tpu.memory_space<vmem>>
        %dma_wait3A_494 = tpu.memref_squeeze %dma_wait3A_493 : memref<1x128x64xf32, #tpu.memory_space<vmem>> -> memref<128x64xf32, #tpu.memory_space<vmem>>
        %dma_wait3A_495 = arith.constant 0 : i32
        %dma_wait3A_496 = tpu.memref_slice %arg4[%add3A_271, %dma_wait3A_495] : memref<819200x64xf32, #tpu.memory_space<hbm>> -> memref<128x64xf32, #tpu.memory_space<hbm>>
        %dma_wait3A_497 = arith.constant 0 : i32
        %dma_wait3A_498 = tpu.memref_slice %arg4[%add3A_271, %dma_wait3A_497] : memref<819200x64xf32, #tpu.memory_space<hbm>> -> memref<128x64xf32, #tpu.memory_space<hbm>>
        %dma_wait3A_499 = arith.constant 0 : i32
        %dma_wait3A_500 = arith.constant 0 : i32
        %dma_wait3A_501 = tpu.memref_slice %arg6[%run_scoped3A_272, %dma_wait3A_499, %dma_wait3A_500] : memref<8x128x64xf32, #tpu.memory_space<vmem>> -> memref<1x128x64xf32, #tpu.memory_space<vmem>>
        %dma_wait3A_502 = tpu.memref_squeeze %dma_wait3A_501 : memref<1x128x64xf32, #tpu.memory_space<vmem>> -> memref<128x64xf32, #tpu.memory_space<vmem>>
        tpu.wait_dma2 semaphore(%run_scoped3A_478 : memref<!tpu.dma_semaphore, #tpu.memory_space<semaphore_mem>>) src(%dma_wait3A_502 : memref<128x64xf32, #tpu.memory_space<vmem>>) dst(%dma_wait3A_498 : memref<128x64xf32, #tpu.memory_space<hbm>>)
        tpu.yield
      }) : () -> ()
      %add3A_273 = arith.constant 8 : i32
      %add3A_274 = arith.addi %add3A_257, %add3A_273 : i32
      %dma_start3A_275 = arith.constant 1 : i32
      %dma_start3A_276 = arith.constant 0 : i32
      %dma_start3A_277 = arith.constant 0 : i32
      %dma_start3A_278 = tpu.memref_slice %arg6[%dma_start3A_275, %dma_start3A_276, %dma_start3A_277] : memref<8x128x64xf32, #tpu.memory_space<vmem>> -> memref<1x128x64xf32, #tpu.memory_space<vmem>>
      %dma_start3A_279 = tpu.memref_squeeze %dma_start3A_278 : memref<1x128x64xf32, #tpu.memory_space<vmem>> -> memref<128x64xf32, #tpu.memory_space<vmem>>
      %dma_start3A_280 = arith.constant 0 : i32
      %dma_start3A_281 = tpu.memref_slice %arg5[%add3A_274, %dma_start3A_280] : memref<200x128xi32, #tpu.memory_space<vmem>> -> memref<1x128xi32, #tpu.memory_space<vmem>>
      %dma_start3A_282 = tpu.memref_squeeze %dma_start3A_281 : memref<1x128xi32, #tpu.memory_space<vmem>> -> memref<128xi32, #tpu.memory_space<vmem>>
      %dma_start3A_283 = arith.constant 0 : i32
      %dma_start3A_284 = arith.constant 0 : i32
      %dma_start3A_285 = tpu.memref_slice %arg3[%dma_start3A_283, %dma_start3A_284] : memref<1000000x64xf32, #tpu.memory_space<hbm>> -> memref<1000000x64xf32, #tpu.memory_space<hbm>>
      tpu.enqueue_indirect_dma source(%dma_start3A_285 : memref<1000000x64xf32, #tpu.memory_space<hbm>>) target(%dma_start3A_279 : memref<128x64xf32, #tpu.memory_space<vmem>>) offsets(%dma_start3A_282 : memref<128xi32, #tpu.memory_space<vmem>>) semaphore(%arg7 : memref<!tpu.dma_semaphore, #tpu.memory_space<semaphore_mem>>)
      %mul3A_286 = arith.constant 8 : i32
      %mul3A_287 = arith.muli %scan3A_221, %mul3A_286 : i32
      %add3A_288 = arith.constant 2 : i32
      %add3A_289 = arith.addi %mul3A_287, %add3A_288 : i32
      %dma_wait3A_290 = arith.constant 2 : i32
      %dma_wait3A_291 = arith.constant 0 : i32
      %dma_wait3A_292 = arith.constant 0 : i32
      %dma_wait3A_293 = tpu.memref_slice %arg6[%dma_wait3A_290, %dma_wait3A_291, %dma_wait3A_292] : memref<8x128x64xf32, #tpu.memory_space<vmem>> -> memref<1x128x64xf32, #tpu.memory_space<vmem>>
      %dma_wait3A_294 = tpu.memref_squeeze %dma_wait3A_293 : memref<1x128x64xf32, #tpu.memory_space<vmem>> -> memref<128x64xf32, #tpu.memory_space<vmem>>
      %dma_wait3A_295 = arith.constant 0 : i32
      %dma_wait3A_296 = tpu.memref_slice %arg5[%add3A_289, %dma_wait3A_295] : memref<200x128xi32, #tpu.memory_space<vmem>> -> memref<1x128xi32, #tpu.memory_space<vmem>>
      %dma_wait3A_297 = tpu.memref_squeeze %dma_wait3A_296 : memref<1x128xi32, #tpu.memory_space<vmem>> -> memref<128xi32, #tpu.memory_space<vmem>>
      %dma_wait3A_298 = arith.constant 0 : i32
      %dma_wait3A_299 = arith.constant 0 : i32
      %dma_wait3A_300 = tpu.memref_slice %arg3[%dma_wait3A_298, %dma_wait3A_299] : memref<1000000x64xf32, #tpu.memory_space<hbm>> -> memref<1000000x64xf32, #tpu.memory_space<hbm>>
      tpu.wait_indirect_dma semaphore(%arg7 : memref<!tpu.dma_semaphore, #tpu.memory_space<semaphore_mem>>) src(%dma_wait3A_300 : memref<1000000x64xf32, #tpu.memory_space<hbm>>) dst(%dma_wait3A_294 : memref<128x64xf32, #tpu.memory_space<vmem>>)
      %mul3A_301 = arith.constant 128 : i32
      %mul3A_302 = arith.muli %add3A_289, %mul3A_301 : i32
      %add3A_303 = arith.addi %mul3A_2, %mul3A_302 : i32
      %run_scoped3A_304 = arith.constant 2 : i32
      "tpu.region"() ({
        %run_scoped3A_478 = tpu.sem_alloc : memref<!tpu.dma_semaphore, #tpu.memory_space<semaphore_mem>>
        %dma_start3A_479 = arith.constant 0 : i32
        %dma_start3A_480 = arith.constant 0 : i32
        %dma_start3A_481 = tpu.memref_slice %arg6[%run_scoped3A_304, %dma_start3A_479, %dma_start3A_480] : memref<8x128x64xf32, #tpu.memory_space<vmem>> -> memref<1x128x64xf32, #tpu.memory_space<vmem>>
        %dma_start3A_482 = tpu.memref_squeeze %dma_start3A_481 : memref<1x128x64xf32, #tpu.memory_space<vmem>> -> memref<128x64xf32, #tpu.memory_space<vmem>>
        %dma_start3A_483 = arith.constant 0 : i32
        %dma_start3A_484 = tpu.memref_slice %arg4[%add3A_303, %dma_start3A_483] : memref<819200x64xf32, #tpu.memory_space<hbm>> -> memref<128x64xf32, #tpu.memory_space<hbm>>
        %dma_start3A_485 = arith.constant 0 : i32
        %dma_start3A_486 = tpu.memref_slice %arg4[%add3A_303, %dma_start3A_485] : memref<819200x64xf32, #tpu.memory_space<hbm>> -> memref<128x64xf32, #tpu.memory_space<hbm>>
        %dma_start3A_487 = arith.constant 0 : i32
        %dma_start3A_488 = arith.constant 0 : i32
        %dma_start3A_489 = tpu.memref_slice %arg6[%run_scoped3A_304, %dma_start3A_487, %dma_start3A_488] : memref<8x128x64xf32, #tpu.memory_space<vmem>> -> memref<1x128x64xf32, #tpu.memory_space<vmem>>
        %dma_start3A_490 = tpu.memref_squeeze %dma_start3A_489 : memref<1x128x64xf32, #tpu.memory_space<vmem>> -> memref<128x64xf32, #tpu.memory_space<vmem>>
        tpu.enqueue_dma source(%dma_start3A_490 : memref<128x64xf32, #tpu.memory_space<vmem>>) target(%dma_start3A_486 : memref<128x64xf32, #tpu.memory_space<hbm>>) target_semaphore(%run_scoped3A_478 : memref<!tpu.dma_semaphore, #tpu.memory_space<semaphore_mem>>)
        %dma_wait3A_491 = arith.constant 0 : i32
        %dma_wait3A_492 = arith.constant 0 : i32
        %dma_wait3A_493 = tpu.memref_slice %arg6[%run_scoped3A_304, %dma_wait3A_491, %dma_wait3A_492] : memref<8x128x64xf32, #tpu.memory_space<vmem>> -> memref<1x128x64xf32, #tpu.memory_space<vmem>>
        %dma_wait3A_494 = tpu.memref_squeeze %dma_wait3A_493 : memref<1x128x64xf32, #tpu.memory_space<vmem>> -> memref<128x64xf32, #tpu.memory_space<vmem>>
        %dma_wait3A_495 = arith.constant 0 : i32
        %dma_wait3A_496 = tpu.memref_slice %arg4[%add3A_303, %dma_wait3A_495] : memref<819200x64xf32, #tpu.memory_space<hbm>> -> memref<128x64xf32, #tpu.memory_space<hbm>>
        %dma_wait3A_497 = arith.constant 0 : i32
        %dma_wait3A_498 = tpu.memref_slice %arg4[%add3A_303, %dma_wait3A_497] : memref<819200x64xf32, #tpu.memory_space<hbm>> -> memref<128x64xf32, #tpu.memory_space<hbm>>
        %dma_wait3A_499 = arith.constant 0 : i32
        %dma_wait3A_500 = arith.constant 0 : i32
        %dma_wait3A_501 = tpu.memref_slice %arg6[%run_scoped3A_304, %dma_wait3A_499, %dma_wait3A_500] : memref<8x128x64xf32, #tpu.memory_space<vmem>> -> memref<1x128x64xf32, #tpu.memory_space<vmem>>
        %dma_wait3A_502 = tpu.memref_squeeze %dma_wait3A_501 : memref<1x128x64xf32, #tpu.memory_space<vmem>> -> memref<128x64xf32, #tpu.memory_space<vmem>>
        tpu.wait_dma2 semaphore(%run_scoped3A_478 : memref<!tpu.dma_semaphore, #tpu.memory_space<semaphore_mem>>) src(%dma_wait3A_502 : memref<128x64xf32, #tpu.memory_space<vmem>>) dst(%dma_wait3A_498 : memref<128x64xf32, #tpu.memory_space<hbm>>)
        tpu.yield
      }) : () -> ()
      %add3A_305 = arith.constant 8 : i32
      %add3A_306 = arith.addi %add3A_289, %add3A_305 : i32
      %dma_start3A_307 = arith.constant 2 : i32
      %dma_start3A_308 = arith.constant 0 : i32
      %dma_start3A_309 = arith.constant 0 : i32
      %dma_start3A_310 = tpu.memref_slice %arg6[%dma_start3A_307, %dma_start3A_308, %dma_start3A_309] : memref<8x128x64xf32, #tpu.memory_space<vmem>> -> memref<1x128x64xf32, #tpu.memory_space<vmem>>
      %dma_start3A_311 = tpu.memref_squeeze %dma_start3A_310 : memref<1x128x64xf32, #tpu.memory_space<vmem>> -> memref<128x64xf32, #tpu.memory_space<vmem>>
      %dma_start3A_312 = arith.constant 0 : i32
      %dma_start3A_313 = tpu.memref_slice %arg5[%add3A_306, %dma_start3A_312] : memref<200x128xi32, #tpu.memory_space<vmem>> -> memref<1x128xi32, #tpu.memory_space<vmem>>
      %dma_start3A_314 = tpu.memref_squeeze %dma_start3A_313 : memref<1x128xi32, #tpu.memory_space<vmem>> -> memref<128xi32, #tpu.memory_space<vmem>>
      %dma_start3A_315 = arith.constant 0 : i32
      %dma_start3A_316 = arith.constant 0 : i32
      %dma_start3A_317 = tpu.memref_slice %arg3[%dma_start3A_315, %dma_start3A_316] : memref<1000000x64xf32, #tpu.memory_space<hbm>> -> memref<1000000x64xf32, #tpu.memory_space<hbm>>
      tpu.enqueue_indirect_dma source(%dma_start3A_317 : memref<1000000x64xf32, #tpu.memory_space<hbm>>) target(%dma_start3A_311 : memref<128x64xf32, #tpu.memory_space<vmem>>) offsets(%dma_start3A_314 : memref<128xi32, #tpu.memory_space<vmem>>) semaphore(%arg7 : memref<!tpu.dma_semaphore, #tpu.memory_space<semaphore_mem>>)
      %mul3A_318 = arith.constant 8 : i32
      %mul3A_319 = arith.muli %scan3A_221, %mul3A_318 : i32
      %add3A_320 = arith.constant 3 : i32
      %add3A_321 = arith.addi %mul3A_319, %add3A_320 : i32
      %dma_wait3A_322 = arith.constant 3 : i32
      %dma_wait3A_323 = arith.constant 0 : i32
      %dma_wait3A_324 = arith.constant 0 : i32
      %dma_wait3A_325 = tpu.memref_slice %arg6[%dma_wait3A_322, %dma_wait3A_323, %dma_wait3A_324] : memref<8x128x64xf32, #tpu.memory_space<vmem>> -> memref<1x128x64xf32, #tpu.memory_space<vmem>>
      %dma_wait3A_326 = tpu.memref_squeeze %dma_wait3A_325 : memref<1x128x64xf32, #tpu.memory_space<vmem>> -> memref<128x64xf32, #tpu.memory_space<vmem>>
      %dma_wait3A_327 = arith.constant 0 : i32
      %dma_wait3A_328 = tpu.memref_slice %arg5[%add3A_321, %dma_wait3A_327] : memref<200x128xi32, #tpu.memory_space<vmem>> -> memref<1x128xi32, #tpu.memory_space<vmem>>
      %dma_wait3A_329 = tpu.memref_squeeze %dma_wait3A_328 : memref<1x128xi32, #tpu.memory_space<vmem>> -> memref<128xi32, #tpu.memory_space<vmem>>
      %dma_wait3A_330 = arith.constant 0 : i32
      %dma_wait3A_331 = arith.constant 0 : i32
      %dma_wait3A_332 = tpu.memref_slice %arg3[%dma_wait3A_330, %dma_wait3A_331] : memref<1000000x64xf32, #tpu.memory_space<hbm>> -> memref<1000000x64xf32, #tpu.memory_space<hbm>>
      tpu.wait_indirect_dma semaphore(%arg7 : memref<!tpu.dma_semaphore, #tpu.memory_space<semaphore_mem>>) src(%dma_wait3A_332 : memref<1000000x64xf32, #tpu.memory_space<hbm>>) dst(%dma_wait3A_326 : memref<128x64xf32, #tpu.memory_space<vmem>>)
      %mul3A_333 = arith.constant 128 : i32
      %mul3A_334 = arith.muli %add3A_321, %mul3A_333 : i32
      %add3A_335 = arith.addi %mul3A_2, %mul3A_334 : i32
      %run_scoped3A_336 = arith.constant 3 : i32
      "tpu.region"() ({
        %run_scoped3A_478 = tpu.sem_alloc : memref<!tpu.dma_semaphore, #tpu.memory_space<semaphore_mem>>
        %dma_start3A_479 = arith.constant 0 : i32
        %dma_start3A_480 = arith.constant 0 : i32
        %dma_start3A_481 = tpu.memref_slice %arg6[%run_scoped3A_336, %dma_start3A_479, %dma_start3A_480] : memref<8x128x64xf32, #tpu.memory_space<vmem>> -> memref<1x128x64xf32, #tpu.memory_space<vmem>>
        %dma_start3A_482 = tpu.memref_squeeze %dma_start3A_481 : memref<1x128x64xf32, #tpu.memory_space<vmem>> -> memref<128x64xf32, #tpu.memory_space<vmem>>
        %dma_start3A_483 = arith.constant 0 : i32
        %dma_start3A_484 = tpu.memref_slice %arg4[%add3A_335, %dma_start3A_483] : memref<819200x64xf32, #tpu.memory_space<hbm>> -> memref<128x64xf32, #tpu.memory_space<hbm>>
        %dma_start3A_485 = arith.constant 0 : i32
        %dma_start3A_486 = tpu.memref_slice %arg4[%add3A_335, %dma_start3A_485] : memref<819200x64xf32, #tpu.memory_space<hbm>> -> memref<128x64xf32, #tpu.memory_space<hbm>>
        %dma_start3A_487 = arith.constant 0 : i32
        %dma_start3A_488 = arith.constant 0 : i32
        %dma_start3A_489 = tpu.memref_slice %arg6[%run_scoped3A_336, %dma_start3A_487, %dma_start3A_488] : memref<8x128x64xf32, #tpu.memory_space<vmem>> -> memref<1x128x64xf32, #tpu.memory_space<vmem>>
        %dma_start3A_490 = tpu.memref_squeeze %dma_start3A_489 : memref<1x128x64xf32, #tpu.memory_space<vmem>> -> memref<128x64xf32, #tpu.memory_space<vmem>>
        tpu.enqueue_dma source(%dma_start3A_490 : memref<128x64xf32, #tpu.memory_space<vmem>>) target(%dma_start3A_486 : memref<128x64xf32, #tpu.memory_space<hbm>>) target_semaphore(%run_scoped3A_478 : memref<!tpu.dma_semaphore, #tpu.memory_space<semaphore_mem>>)
        %dma_wait3A_491 = arith.constant 0 : i32
        %dma_wait3A_492 = arith.constant 0 : i32
        %dma_wait3A_493 = tpu.memref_slice %arg6[%run_scoped3A_336, %dma_wait3A_491, %dma_wait3A_492] : memref<8x128x64xf32, #tpu.memory_space<vmem>> -> memref<1x128x64xf32, #tpu.memory_space<vmem>>
        %dma_wait3A_494 = tpu.memref_squeeze %dma_wait3A_493 : memref<1x128x64xf32, #tpu.memory_space<vmem>> -> memref<128x64xf32, #tpu.memory_space<vmem>>
        %dma_wait3A_495 = arith.constant 0 : i32
        %dma_wait3A_496 = tpu.memref_slice %arg4[%add3A_335, %dma_wait3A_495] : memref<819200x64xf32, #tpu.memory_space<hbm>> -> memref<128x64xf32, #tpu.memory_space<hbm>>
        %dma_wait3A_497 = arith.constant 0 : i32
        %dma_wait3A_498 = tpu.memref_slice %arg4[%add3A_335, %dma_wait3A_497] : memref<819200x64xf32, #tpu.memory_space<hbm>> -> memref<128x64xf32, #tpu.memory_space<hbm>>
        %dma_wait3A_499 = arith.constant 0 : i32
        %dma_wait3A_500 = arith.constant 0 : i32
        %dma_wait3A_501 = tpu.memref_slice %arg6[%run_scoped3A_336, %dma_wait3A_499, %dma_wait3A_500] : memref<8x128x64xf32, #tpu.memory_space<vmem>> -> memref<1x128x64xf32, #tpu.memory_space<vmem>>
        %dma_wait3A_502 = tpu.memref_squeeze %dma_wait3A_501 : memref<1x128x64xf32, #tpu.memory_space<vmem>> -> memref<128x64xf32, #tpu.memory_space<vmem>>
        tpu.wait_dma2 semaphore(%run_scoped3A_478 : memref<!tpu.dma_semaphore, #tpu.memory_space<semaphore_mem>>) src(%dma_wait3A_502 : memref<128x64xf32, #tpu.memory_space<vmem>>) dst(%dma_wait3A_498 : memref<128x64xf32, #tpu.memory_space<hbm>>)
        tpu.yield
      }) : () -> ()
      %add3A_337 = arith.constant 8 : i32
      %add3A_338 = arith.addi %add3A_321, %add3A_337 : i32
      %dma_start3A_339 = arith.constant 3 : i32
      %dma_start3A_340 = arith.constant 0 : i32
      %dma_start3A_341 = arith.constant 0 : i32
      %dma_start3A_342 = tpu.memref_slice %arg6[%dma_start3A_339, %dma_start3A_340, %dma_start3A_341] : memref<8x128x64xf32, #tpu.memory_space<vmem>> -> memref<1x128x64xf32, #tpu.memory_space<vmem>>
      %dma_start3A_343 = tpu.memref_squeeze %dma_start3A_342 : memref<1x128x64xf32, #tpu.memory_space<vmem>> -> memref<128x64xf32, #tpu.memory_space<vmem>>
      %dma_start3A_344 = arith.constant 0 : i32
      %dma_start3A_345 = tpu.memref_slice %arg5[%add3A_338, %dma_start3A_344] : memref<200x128xi32, #tpu.memory_space<vmem>> -> memref<1x128xi32, #tpu.memory_space<vmem>>
      %dma_start3A_346 = tpu.memref_squeeze %dma_start3A_345 : memref<1x128xi32, #tpu.memory_space<vmem>> -> memref<128xi32, #tpu.memory_space<vmem>>
      %dma_start3A_347 = arith.constant 0 : i32
      %dma_start3A_348 = arith.constant 0 : i32
      %dma_start3A_349 = tpu.memref_slice %arg3[%dma_start3A_347, %dma_start3A_348] : memref<1000000x64xf32, #tpu.memory_space<hbm>> -> memref<1000000x64xf32, #tpu.memory_space<hbm>>
      tpu.enqueue_indirect_dma source(%dma_start3A_349 : memref<1000000x64xf32, #tpu.memory_space<hbm>>) target(%dma_start3A_343 : memref<128x64xf32, #tpu.memory_space<vmem>>) offsets(%dma_start3A_346 : memref<128xi32, #tpu.memory_space<vmem>>) semaphore(%arg7 : memref<!tpu.dma_semaphore, #tpu.memory_space<semaphore_mem>>)
      %mul3A_350 = arith.constant 8 : i32
      %mul3A_351 = arith.muli %scan3A_221, %mul3A_350 : i32
      %add3A_352 = arith.constant 4 : i32
      %add3A_353 = arith.addi %mul3A_351, %add3A_352 : i32
      %dma_wait3A_354 = arith.constant 4 : i32
      %dma_wait3A_355 = arith.constant 0 : i32
      %dma_wait3A_356 = arith.constant 0 : i32
      %dma_wait3A_357 = tpu.memref_slice %arg6[%dma_wait3A_354, %dma_wait3A_355, %dma_wait3A_356] : memref<8x128x64xf32, #tpu.memory_space<vmem>> -> memref<1x128x64xf32, #tpu.memory_space<vmem>>
      %dma_wait3A_358 = tpu.memref_squeeze %dma_wait3A_357 : memref<1x128x64xf32, #tpu.memory_space<vmem>> -> memref<128x64xf32, #tpu.memory_space<vmem>>
      %dma_wait3A_359 = arith.constant 0 : i32
      %dma_wait3A_360 = tpu.memref_slice %arg5[%add3A_353, %dma_wait3A_359] : memref<200x128xi32, #tpu.memory_space<vmem>> -> memref<1x128xi32, #tpu.memory_space<vmem>>
      %dma_wait3A_361 = tpu.memref_squeeze %dma_wait3A_360 : memref<1x128xi32, #tpu.memory_space<vmem>> -> memref<128xi32, #tpu.memory_space<vmem>>
      %dma_wait3A_362 = arith.constant 0 : i32
      %dma_wait3A_363 = arith.constant 0 : i32
      %dma_wait3A_364 = tpu.memref_slice %arg3[%dma_wait3A_362, %dma_wait3A_363] : memref<1000000x64xf32, #tpu.memory_space<hbm>> -> memref<1000000x64xf32, #tpu.memory_space<hbm>>
      tpu.wait_indirect_dma semaphore(%arg7 : memref<!tpu.dma_semaphore, #tpu.memory_space<semaphore_mem>>) src(%dma_wait3A_364 : memref<1000000x64xf32, #tpu.memory_space<hbm>>) dst(%dma_wait3A_358 : memref<128x64xf32, #tpu.memory_space<vmem>>)
      %mul3A_365 = arith.constant 128 : i32
      %mul3A_366 = arith.muli %add3A_353, %mul3A_365 : i32
      %add3A_367 = arith.addi %mul3A_2, %mul3A_366 : i32
      %run_scoped3A_368 = arith.constant 4 : i32
      "tpu.region"() ({
        %run_scoped3A_478 = tpu.sem_alloc : memref<!tpu.dma_semaphore, #tpu.memory_space<semaphore_mem>>
        %dma_start3A_479 = arith.constant 0 : i32
        %dma_start3A_480 = arith.constant 0 : i32
        %dma_start3A_481 = tpu.memref_slice %arg6[%run_scoped3A_368, %dma_start3A_479, %dma_start3A_480] : memref<8x128x64xf32, #tpu.memory_space<vmem>> -> memref<1x128x64xf32, #tpu.memory_space<vmem>>
        %dma_start3A_482 = tpu.memref_squeeze %dma_start3A_481 : memref<1x128x64xf32, #tpu.memory_space<vmem>> -> memref<128x64xf32, #tpu.memory_space<vmem>>
        %dma_start3A_483 = arith.constant 0 : i32
        %dma_start3A_484 = tpu.memref_slice %arg4[%add3A_367, %dma_start3A_483] : memref<819200x64xf32, #tpu.memory_space<hbm>> -> memref<128x64xf32, #tpu.memory_space<hbm>>
        %dma_start3A_485 = arith.constant 0 : i32
        %dma_start3A_486 = tpu.memref_slice %arg4[%add3A_367, %dma_start3A_485] : memref<819200x64xf32, #tpu.memory_space<hbm>> -> memref<128x64xf32, #tpu.memory_space<hbm>>
        %dma_start3A_487 = arith.constant 0 : i32
        %dma_start3A_488 = arith.constant 0 : i32
        %dma_start3A_489 = tpu.memref_slice %arg6[%run_scoped3A_368, %dma_start3A_487, %dma_start3A_488] : memref<8x128x64xf32, #tpu.memory_space<vmem>> -> memref<1x128x64xf32, #tpu.memory_space<vmem>>
        %dma_start3A_490 = tpu.memref_squeeze %dma_start3A_489 : memref<1x128x64xf32, #tpu.memory_space<vmem>> -> memref<128x64xf32, #tpu.memory_space<vmem>>
        tpu.enqueue_dma source(%dma_start3A_490 : memref<128x64xf32, #tpu.memory_space<vmem>>) target(%dma_start3A_486 : memref<128x64xf32, #tpu.memory_space<hbm>>) target_semaphore(%run_scoped3A_478 : memref<!tpu.dma_semaphore, #tpu.memory_space<semaphore_mem>>)
        %dma_wait3A_491 = arith.constant 0 : i32
        %dma_wait3A_492 = arith.constant 0 : i32
        %dma_wait3A_493 = tpu.memref_slice %arg6[%run_scoped3A_368, %dma_wait3A_491, %dma_wait3A_492] : memref<8x128x64xf32, #tpu.memory_space<vmem>> -> memref<1x128x64xf32, #tpu.memory_space<vmem>>
        %dma_wait3A_494 = tpu.memref_squeeze %dma_wait3A_493 : memref<1x128x64xf32, #tpu.memory_space<vmem>> -> memref<128x64xf32, #tpu.memory_space<vmem>>
        %dma_wait3A_495 = arith.constant 0 : i32
        %dma_wait3A_496 = tpu.memref_slice %arg4[%add3A_367, %dma_wait3A_495] : memref<819200x64xf32, #tpu.memory_space<hbm>> -> memref<128x64xf32, #tpu.memory_space<hbm>>
        %dma_wait3A_497 = arith.constant 0 : i32
        %dma_wait3A_498 = tpu.memref_slice %arg4[%add3A_367, %dma_wait3A_497] : memref<819200x64xf32, #tpu.memory_space<hbm>> -> memref<128x64xf32, #tpu.memory_space<hbm>>
        %dma_wait3A_499 = arith.constant 0 : i32
        %dma_wait3A_500 = arith.constant 0 : i32
        %dma_wait3A_501 = tpu.memref_slice %arg6[%run_scoped3A_368, %dma_wait3A_499, %dma_wait3A_500] : memref<8x128x64xf32, #tpu.memory_space<vmem>> -> memref<1x128x64xf32, #tpu.memory_space<vmem>>
        %dma_wait3A_502 = tpu.memref_squeeze %dma_wait3A_501 : memref<1x128x64xf32, #tpu.memory_space<vmem>> -> memref<128x64xf32, #tpu.memory_space<vmem>>
        tpu.wait_dma2 semaphore(%run_scoped3A_478 : memref<!tpu.dma_semaphore, #tpu.memory_space<semaphore_mem>>) src(%dma_wait3A_502 : memref<128x64xf32, #tpu.memory_space<vmem>>) dst(%dma_wait3A_498 : memref<128x64xf32, #tpu.memory_space<hbm>>)
        tpu.yield
      }) : () -> ()
      %add3A_369 = arith.constant 8 : i32
      %add3A_370 = arith.addi %add3A_353, %add3A_369 : i32
      %dma_start3A_371 = arith.constant 4 : i32
      %dma_start3A_372 = arith.constant 0 : i32
      %dma_start3A_373 = arith.constant 0 : i32
      %dma_start3A_374 = tpu.memref_slice %arg6[%dma_start3A_371, %dma_start3A_372, %dma_start3A_373] : memref<8x128x64xf32, #tpu.memory_space<vmem>> -> memref<1x128x64xf32, #tpu.memory_space<vmem>>
      %dma_start3A_375 = tpu.memref_squeeze %dma_start3A_374 : memref<1x128x64xf32, #tpu.memory_space<vmem>> -> memref<128x64xf32, #tpu.memory_space<vmem>>
      %dma_start3A_376 = arith.constant 0 : i32
      %dma_start3A_377 = tpu.memref_slice %arg5[%add3A_370, %dma_start3A_376] : memref<200x128xi32, #tpu.memory_space<vmem>> -> memref<1x128xi32, #tpu.memory_space<vmem>>
      %dma_start3A_378 = tpu.memref_squeeze %dma_start3A_377 : memref<1x128xi32, #tpu.memory_space<vmem>> -> memref<128xi32, #tpu.memory_space<vmem>>
      %dma_start3A_379 = arith.constant 0 : i32
      %dma_start3A_380 = arith.constant 0 : i32
      %dma_start3A_381 = tpu.memref_slice %arg3[%dma_start3A_379, %dma_start3A_380] : memref<1000000x64xf32, #tpu.memory_space<hbm>> -> memref<1000000x64xf32, #tpu.memory_space<hbm>>
      tpu.enqueue_indirect_dma source(%dma_start3A_381 : memref<1000000x64xf32, #tpu.memory_space<hbm>>) target(%dma_start3A_375 : memref<128x64xf32, #tpu.memory_space<vmem>>) offsets(%dma_start3A_378 : memref<128xi32, #tpu.memory_space<vmem>>) semaphore(%arg7 : memref<!tpu.dma_semaphore, #tpu.memory_space<semaphore_mem>>)
      %mul3A_382 = arith.constant 8 : i32
      %mul3A_383 = arith.muli %scan3A_221, %mul3A_382 : i32
      %add3A_384 = arith.constant 5 : i32
      %add3A_385 = arith.addi %mul3A_383, %add3A_384 : i32
      %dma_wait3A_386 = arith.constant 5 : i32
      %dma_wait3A_387 = arith.constant 0 : i32
      %dma_wait3A_388 = arith.constant 0 : i32
      %dma_wait3A_389 = tpu.memref_slice %arg6[%dma_wait3A_386, %dma_wait3A_387, %dma_wait3A_388] : memref<8x128x64xf32, #tpu.memory_space<vmem>> -> memref<1x128x64xf32, #tpu.memory_space<vmem>>
      %dma_wait3A_390 = tpu.memref_squeeze %dma_wait3A_389 : memref<1x128x64xf32, #tpu.memory_space<vmem>> -> memref<128x64xf32, #tpu.memory_space<vmem>>
      %dma_wait3A_391 = arith.constant 0 : i32
      %dma_wait3A_392 = tpu.memref_slice %arg5[%add3A_385, %dma_wait3A_391] : memref<200x128xi32, #tpu.memory_space<vmem>> -> memref<1x128xi32, #tpu.memory_space<vmem>>
      %dma_wait3A_393 = tpu.memref_squeeze %dma_wait3A_392 : memref<1x128xi32, #tpu.memory_space<vmem>> -> memref<128xi32, #tpu.memory_space<vmem>>
      %dma_wait3A_394 = arith.constant 0 : i32
      %dma_wait3A_395 = arith.constant 0 : i32
      %dma_wait3A_396 = tpu.memref_slice %arg3[%dma_wait3A_394, %dma_wait3A_395] : memref<1000000x64xf32, #tpu.memory_space<hbm>> -> memref<1000000x64xf32, #tpu.memory_space<hbm>>
      tpu.wait_indirect_dma semaphore(%arg7 : memref<!tpu.dma_semaphore, #tpu.memory_space<semaphore_mem>>) src(%dma_wait3A_396 : memref<1000000x64xf32, #tpu.memory_space<hbm>>) dst(%dma_wait3A_390 : memref<128x64xf32, #tpu.memory_space<vmem>>)
      %mul3A_397 = arith.constant 128 : i32
      %mul3A_398 = arith.muli %add3A_385, %mul3A_397 : i32
      %add3A_399 = arith.addi %mul3A_2, %mul3A_398 : i32
      %run_scoped3A_400 = arith.constant 5 : i32
      "tpu.region"() ({
        %run_scoped3A_478 = tpu.sem_alloc : memref<!tpu.dma_semaphore, #tpu.memory_space<semaphore_mem>>
        %dma_start3A_479 = arith.constant 0 : i32
        %dma_start3A_480 = arith.constant 0 : i32
        %dma_start3A_481 = tpu.memref_slice %arg6[%run_scoped3A_400, %dma_start3A_479, %dma_start3A_480] : memref<8x128x64xf32, #tpu.memory_space<vmem>> -> memref<1x128x64xf32, #tpu.memory_space<vmem>>
        %dma_start3A_482 = tpu.memref_squeeze %dma_start3A_481 : memref<1x128x64xf32, #tpu.memory_space<vmem>> -> memref<128x64xf32, #tpu.memory_space<vmem>>
        %dma_start3A_483 = arith.constant 0 : i32
        %dma_start3A_484 = tpu.memref_slice %arg4[%add3A_399, %dma_start3A_483] : memref<819200x64xf32, #tpu.memory_space<hbm>> -> memref<128x64xf32, #tpu.memory_space<hbm>>
        %dma_start3A_485 = arith.constant 0 : i32
        %dma_start3A_486 = tpu.memref_slice %arg4[%add3A_399, %dma_start3A_485] : memref<819200x64xf32, #tpu.memory_space<hbm>> -> memref<128x64xf32, #tpu.memory_space<hbm>>
        %dma_start3A_487 = arith.constant 0 : i32
        %dma_start3A_488 = arith.constant 0 : i32
        %dma_start3A_489 = tpu.memref_slice %arg6[%run_scoped3A_400, %dma_start3A_487, %dma_start3A_488] : memref<8x128x64xf32, #tpu.memory_space<vmem>> -> memref<1x128x64xf32, #tpu.memory_space<vmem>>
        %dma_start3A_490 = tpu.memref_squeeze %dma_start3A_489 : memref<1x128x64xf32, #tpu.memory_space<vmem>> -> memref<128x64xf32, #tpu.memory_space<vmem>>
        tpu.enqueue_dma source(%dma_start3A_490 : memref<128x64xf32, #tpu.memory_space<vmem>>) target(%dma_start3A_486 : memref<128x64xf32, #tpu.memory_space<hbm>>) target_semaphore(%run_scoped3A_478 : memref<!tpu.dma_semaphore, #tpu.memory_space<semaphore_mem>>)
        %dma_wait3A_491 = arith.constant 0 : i32
        %dma_wait3A_492 = arith.constant 0 : i32
        %dma_wait3A_493 = tpu.memref_slice %arg6[%run_scoped3A_400, %dma_wait3A_491, %dma_wait3A_492] : memref<8x128x64xf32, #tpu.memory_space<vmem>> -> memref<1x128x64xf32, #tpu.memory_space<vmem>>
        %dma_wait3A_494 = tpu.memref_squeeze %dma_wait3A_493 : memref<1x128x64xf32, #tpu.memory_space<vmem>> -> memref<128x64xf32, #tpu.memory_space<vmem>>
        %dma_wait3A_495 = arith.constant 0 : i32
        %dma_wait3A_496 = tpu.memref_slice %arg4[%add3A_399, %dma_wait3A_495] : memref<819200x64xf32, #tpu.memory_space<hbm>> -> memref<128x64xf32, #tpu.memory_space<hbm>>
        %dma_wait3A_497 = arith.constant 0 : i32
        %dma_wait3A_498 = tpu.memref_slice %arg4[%add3A_399, %dma_wait3A_497] : memref<819200x64xf32, #tpu.memory_space<hbm>> -> memref<128x64xf32, #tpu.memory_space<hbm>>
        %dma_wait3A_499 = arith.constant 0 : i32
        %dma_wait3A_500 = arith.constant 0 : i32
        %dma_wait3A_501 = tpu.memref_slice %arg6[%run_scoped3A_400, %dma_wait3A_499, %dma_wait3A_500] : memref<8x128x64xf32, #tpu.memory_space<vmem>> -> memref<1x128x64xf32, #tpu.memory_space<vmem>>
        %dma_wait3A_502 = tpu.memref_squeeze %dma_wait3A_501 : memref<1x128x64xf32, #tpu.memory_space<vmem>> -> memref<128x64xf32, #tpu.memory_space<vmem>>
        tpu.wait_dma2 semaphore(%run_scoped3A_478 : memref<!tpu.dma_semaphore, #tpu.memory_space<semaphore_mem>>) src(%dma_wait3A_502 : memref<128x64xf32, #tpu.memory_space<vmem>>) dst(%dma_wait3A_498 : memref<128x64xf32, #tpu.memory_space<hbm>>)
        tpu.yield
      }) : () -> ()
      %add3A_401 = arith.constant 8 : i32
      %add3A_402 = arith.addi %add3A_385, %add3A_401 : i32
      %dma_start3A_403 = arith.constant 5 : i32
      %dma_start3A_404 = arith.constant 0 : i32
      %dma_start3A_405 = arith.constant 0 : i32
      %dma_start3A_406 = tpu.memref_slice %arg6[%dma_start3A_403, %dma_start3A_404, %dma_start3A_405] : memref<8x128x64xf32, #tpu.memory_space<vmem>> -> memref<1x128x64xf32, #tpu.memory_space<vmem>>
      %dma_start3A_407 = tpu.memref_squeeze %dma_start3A_406 : memref<1x128x64xf32, #tpu.memory_space<vmem>> -> memref<128x64xf32, #tpu.memory_space<vmem>>
      %dma_start3A_408 = arith.constant 0 : i32
      %dma_start3A_409 = tpu.memref_slice %arg5[%add3A_402, %dma_start3A_408] : memref<200x128xi32, #tpu.memory_space<vmem>> -> memref<1x128xi32, #tpu.memory_space<vmem>>
      %dma_start3A_410 = tpu.memref_squeeze %dma_start3A_409 : memref<1x128xi32, #tpu.memory_space<vmem>> -> memref<128xi32, #tpu.memory_space<vmem>>
      %dma_start3A_411 = arith.constant 0 : i32
      %dma_start3A_412 = arith.constant 0 : i32
      %dma_start3A_413 = tpu.memref_slice %arg3[%dma_start3A_411, %dma_start3A_412] : memref<1000000x64xf32, #tpu.memory_space<hbm>> -> memref<1000000x64xf32, #tpu.memory_space<hbm>>
      tpu.enqueue_indirect_dma source(%dma_start3A_413 : memref<1000000x64xf32, #tpu.memory_space<hbm>>) target(%dma_start3A_407 : memref<128x64xf32, #tpu.memory_space<vmem>>) offsets(%dma_start3A_410 : memref<128xi32, #tpu.memory_space<vmem>>) semaphore(%arg7 : memref<!tpu.dma_semaphore, #tpu.memory_space<semaphore_mem>>)
      %mul3A_414 = arith.constant 8 : i32
      %mul3A_415 = arith.muli %scan3A_221, %mul3A_414 : i32
      %add3A_416 = arith.constant 6 : i32
      %add3A_417 = arith.addi %mul3A_415, %add3A_416 : i32
      %dma_wait3A_418 = arith.constant 6 : i32
      %dma_wait3A_419 = arith.constant 0 : i32
      %dma_wait3A_420 = arith.constant 0 : i32
      %dma_wait3A_421 = tpu.memref_slice %arg6[%dma_wait3A_418, %dma_wait3A_419, %dma_wait3A_420] : memref<8x128x64xf32, #tpu.memory_space<vmem>> -> memref<1x128x64xf32, #tpu.memory_space<vmem>>
      %dma_wait3A_422 = tpu.memref_squeeze %dma_wait3A_421 : memref<1x128x64xf32, #tpu.memory_space<vmem>> -> memref<128x64xf32, #tpu.memory_space<vmem>>
      %dma_wait3A_423 = arith.constant 0 : i32
      %dma_wait3A_424 = tpu.memref_slice %arg5[%add3A_417, %dma_wait3A_423] : memref<200x128xi32, #tpu.memory_space<vmem>> -> memref<1x128xi32, #tpu.memory_space<vmem>>
      %dma_wait3A_425 = tpu.memref_squeeze %dma_wait3A_424 : memref<1x128xi32, #tpu.memory_space<vmem>> -> memref<128xi32, #tpu.memory_space<vmem>>
      %dma_wait3A_426 = arith.constant 0 : i32
      %dma_wait3A_427 = arith.constant 0 : i32
      %dma_wait3A_428 = tpu.memref_slice %arg3[%dma_wait3A_426, %dma_wait3A_427] : memref<1000000x64xf32, #tpu.memory_space<hbm>> -> memref<1000000x64xf32, #tpu.memory_space<hbm>>
      tpu.wait_indirect_dma semaphore(%arg7 : memref<!tpu.dma_semaphore, #tpu.memory_space<semaphore_mem>>) src(%dma_wait3A_428 : memref<1000000x64xf32, #tpu.memory_space<hbm>>) dst(%dma_wait3A_422 : memref<128x64xf32, #tpu.memory_space<vmem>>)
      %mul3A_429 = arith.constant 128 : i32
      %mul3A_430 = arith.muli %add3A_417, %mul3A_429 : i32
      %add3A_431 = arith.addi %mul3A_2, %mul3A_430 : i32
      %run_scoped3A_432 = arith.constant 6 : i32
      "tpu.region"() ({
        %run_scoped3A_478 = tpu.sem_alloc : memref<!tpu.dma_semaphore, #tpu.memory_space<semaphore_mem>>
        %dma_start3A_479 = arith.constant 0 : i32
        %dma_start3A_480 = arith.constant 0 : i32
        %dma_start3A_481 = tpu.memref_slice %arg6[%run_scoped3A_432, %dma_start3A_479, %dma_start3A_480] : memref<8x128x64xf32, #tpu.memory_space<vmem>> -> memref<1x128x64xf32, #tpu.memory_space<vmem>>
        %dma_start3A_482 = tpu.memref_squeeze %dma_start3A_481 : memref<1x128x64xf32, #tpu.memory_space<vmem>> -> memref<128x64xf32, #tpu.memory_space<vmem>>
        %dma_start3A_483 = arith.constant 0 : i32
        %dma_start3A_484 = tpu.memref_slice %arg4[%add3A_431, %dma_start3A_483] : memref<819200x64xf32, #tpu.memory_space<hbm>> -> memref<128x64xf32, #tpu.memory_space<hbm>>
        %dma_start3A_485 = arith.constant 0 : i32
        %dma_start3A_486 = tpu.memref_slice %arg4[%add3A_431, %dma_start3A_485] : memref<819200x64xf32, #tpu.memory_space<hbm>> -> memref<128x64xf32, #tpu.memory_space<hbm>>
        %dma_start3A_487 = arith.constant 0 : i32
        %dma_start3A_488 = arith.constant 0 : i32
        %dma_start3A_489 = tpu.memref_slice %arg6[%run_scoped3A_432, %dma_start3A_487, %dma_start3A_488] : memref<8x128x64xf32, #tpu.memory_space<vmem>> -> memref<1x128x64xf32, #tpu.memory_space<vmem>>
        %dma_start3A_490 = tpu.memref_squeeze %dma_start3A_489 : memref<1x128x64xf32, #tpu.memory_space<vmem>> -> memref<128x64xf32, #tpu.memory_space<vmem>>
        tpu.enqueue_dma source(%dma_start3A_490 : memref<128x64xf32, #tpu.memory_space<vmem>>) target(%dma_start3A_486 : memref<128x64xf32, #tpu.memory_space<hbm>>) target_semaphore(%run_scoped3A_478 : memref<!tpu.dma_semaphore, #tpu.memory_space<semaphore_mem>>)
        %dma_wait3A_491 = arith.constant 0 : i32
        %dma_wait3A_492 = arith.constant 0 : i32
        %dma_wait3A_493 = tpu.memref_slice %arg6[%run_scoped3A_432, %dma_wait3A_491, %dma_wait3A_492] : memref<8x128x64xf32, #tpu.memory_space<vmem>> -> memref<1x128x64xf32, #tpu.memory_space<vmem>>
        %dma_wait3A_494 = tpu.memref_squeeze %dma_wait3A_493 : memref<1x128x64xf32, #tpu.memory_space<vmem>> -> memref<128x64xf32, #tpu.memory_space<vmem>>
        %dma_wait3A_495 = arith.constant 0 : i32
        %dma_wait3A_496 = tpu.memref_slice %arg4[%add3A_431, %dma_wait3A_495] : memref<819200x64xf32, #tpu.memory_space<hbm>> -> memref<128x64xf32, #tpu.memory_space<hbm>>
        %dma_wait3A_497 = arith.constant 0 : i32
        %dma_wait3A_498 = tpu.memref_slice %arg4[%add3A_431, %dma_wait3A_497] : memref<819200x64xf32, #tpu.memory_space<hbm>> -> memref<128x64xf32, #tpu.memory_space<hbm>>
        %dma_wait3A_499 = arith.constant 0 : i32
        %dma_wait3A_500 = arith.constant 0 : i32
        %dma_wait3A_501 = tpu.memref_slice %arg6[%run_scoped3A_432, %dma_wait3A_499, %dma_wait3A_500] : memref<8x128x64xf32, #tpu.memory_space<vmem>> -> memref<1x128x64xf32, #tpu.memory_space<vmem>>
        %dma_wait3A_502 = tpu.memref_squeeze %dma_wait3A_501 : memref<1x128x64xf32, #tpu.memory_space<vmem>> -> memref<128x64xf32, #tpu.memory_space<vmem>>
        tpu.wait_dma2 semaphore(%run_scoped3A_478 : memref<!tpu.dma_semaphore, #tpu.memory_space<semaphore_mem>>) src(%dma_wait3A_502 : memref<128x64xf32, #tpu.memory_space<vmem>>) dst(%dma_wait3A_498 : memref<128x64xf32, #tpu.memory_space<hbm>>)
        tpu.yield
      }) : () -> ()
      %add3A_433 = arith.constant 8 : i32
      %add3A_434 = arith.addi %add3A_417, %add3A_433 : i32
      %dma_start3A_435 = arith.constant 6 : i32
      %dma_start3A_436 = arith.constant 0 : i32
      %dma_start3A_437 = arith.constant 0 : i32
      %dma_start3A_438 = tpu.memref_slice %arg6[%dma_start3A_435, %dma_start3A_436, %dma_start3A_437] : memref<8x128x64xf32, #tpu.memory_space<vmem>> -> memref<1x128x64xf32, #tpu.memory_space<vmem>>
      %dma_start3A_439 = tpu.memref_squeeze %dma_start3A_438 : memref<1x128x64xf32, #tpu.memory_space<vmem>> -> memref<128x64xf32, #tpu.memory_space<vmem>>
      %dma_start3A_440 = arith.constant 0 : i32
      %dma_start3A_441 = tpu.memref_slice %arg5[%add3A_434, %dma_start3A_440] : memref<200x128xi32, #tpu.memory_space<vmem>> -> memref<1x128xi32, #tpu.memory_space<vmem>>
      %dma_start3A_442 = tpu.memref_squeeze %dma_start3A_441 : memref<1x128xi32, #tpu.memory_space<vmem>> -> memref<128xi32, #tpu.memory_space<vmem>>
      %dma_start3A_443 = arith.constant 0 : i32
      %dma_start3A_444 = arith.constant 0 : i32
      %dma_start3A_445 = tpu.memref_slice %arg3[%dma_start3A_443, %dma_start3A_444] : memref<1000000x64xf32, #tpu.memory_space<hbm>> -> memref<1000000x64xf32, #tpu.memory_space<hbm>>
      tpu.enqueue_indirect_dma source(%dma_start3A_445 : memref<1000000x64xf32, #tpu.memory_space<hbm>>) target(%dma_start3A_439 : memref<128x64xf32, #tpu.memory_space<vmem>>) offsets(%dma_start3A_442 : memref<128xi32, #tpu.memory_space<vmem>>) semaphore(%arg7 : memref<!tpu.dma_semaphore, #tpu.memory_space<semaphore_mem>>)
      %mul3A_446 = arith.constant 8 : i32
      %mul3A_447 = arith.muli %scan3A_221, %mul3A_446 : i32
      %add3A_448 = arith.constant 7 : i32
      %add3A_449 = arith.addi %mul3A_447, %add3A_448 : i32
      %dma_wait3A_450 = arith.constant 7 : i32
      %dma_wait3A_451 = arith.constant 0 : i32
      %dma_wait3A_452 = arith.constant 0 : i32
      %dma_wait3A_453 = tpu.memref_slice %arg6[%dma_wait3A_450, %dma_wait3A_451, %dma_wait3A_452] : memref<8x128x64xf32, #tpu.memory_space<vmem>> -> memref<1x128x64xf32, #tpu.memory_space<vmem>>
      %dma_wait3A_454 = tpu.memref_squeeze %dma_wait3A_453 : memref<1x128x64xf32, #tpu.memory_space<vmem>> -> memref<128x64xf32, #tpu.memory_space<vmem>>
      %dma_wait3A_455 = arith.constant 0 : i32
      %dma_wait3A_456 = tpu.memref_slice %arg5[%add3A_449, %dma_wait3A_455] : memref<200x128xi32, #tpu.memory_space<vmem>> -> memref<1x128xi32, #tpu.memory_space<vmem>>
      %dma_wait3A_457 = tpu.memref_squeeze %dma_wait3A_456 : memref<1x128xi32, #tpu.memory_space<vmem>> -> memref<128xi32, #tpu.memory_space<vmem>>
      %dma_wait3A_458 = arith.constant 0 : i32
      %dma_wait3A_459 = arith.constant 0 : i32
      %dma_wait3A_460 = tpu.memref_slice %arg3[%dma_wait3A_458, %dma_wait3A_459] : memref<1000000x64xf32, #tpu.memory_space<hbm>> -> memref<1000000x64xf32, #tpu.memory_space<hbm>>
      tpu.wait_indirect_dma semaphore(%arg7 : memref<!tpu.dma_semaphore, #tpu.memory_space<semaphore_mem>>) src(%dma_wait3A_460 : memref<1000000x64xf32, #tpu.memory_space<hbm>>) dst(%dma_wait3A_454 : memref<128x64xf32, #tpu.memory_space<vmem>>)
      %mul3A_461 = arith.constant 128 : i32
      %mul3A_462 = arith.muli %add3A_449, %mul3A_461 : i32
      %add3A_463 = arith.addi %mul3A_2, %mul3A_462 : i32
      %run_scoped3A_464 = arith.constant 7 : i32
      "tpu.region"() ({
        %run_scoped3A_478 = tpu.sem_alloc : memref<!tpu.dma_semaphore, #tpu.memory_space<semaphore_mem>>
        %dma_start3A_479 = arith.constant 0 : i32
        %dma_start3A_480 = arith.constant 0 : i32
        %dma_start3A_481 = tpu.memref_slice %arg6[%run_scoped3A_464, %dma_start3A_479, %dma_start3A_480] : memref<8x128x64xf32, #tpu.memory_space<vmem>> -> memref<1x128x64xf32, #tpu.memory_space<vmem>>
        %dma_start3A_482 = tpu.memref_squeeze %dma_start3A_481 : memref<1x128x64xf32, #tpu.memory_space<vmem>> -> memref<128x64xf32, #tpu.memory_space<vmem>>
        %dma_start3A_483 = arith.constant 0 : i32
        %dma_start3A_484 = tpu.memref_slice %arg4[%add3A_463, %dma_start3A_483] : memref<819200x64xf32, #tpu.memory_space<hbm>> -> memref<128x64xf32, #tpu.memory_space<hbm>>
        %dma_start3A_485 = arith.constant 0 : i32
        %dma_start3A_486 = tpu.memref_slice %arg4[%add3A_463, %dma_start3A_485] : memref<819200x64xf32, #tpu.memory_space<hbm>> -> memref<128x64xf32, #tpu.memory_space<hbm>>
        %dma_start3A_487 = arith.constant 0 : i32
        %dma_start3A_488 = arith.constant 0 : i32
        %dma_start3A_489 = tpu.memref_slice %arg6[%run_scoped3A_464, %dma_start3A_487, %dma_start3A_488] : memref<8x128x64xf32, #tpu.memory_space<vmem>> -> memref<1x128x64xf32, #tpu.memory_space<vmem>>
        %dma_start3A_490 = tpu.memref_squeeze %dma_start3A_489 : memref<1x128x64xf32, #tpu.memory_space<vmem>> -> memref<128x64xf32, #tpu.memory_space<vmem>>
        tpu.enqueue_dma source(%dma_start3A_490 : memref<128x64xf32, #tpu.memory_space<vmem>>) target(%dma_start3A_486 : memref<128x64xf32, #tpu.memory_space<hbm>>) target_semaphore(%run_scoped3A_478 : memref<!tpu.dma_semaphore, #tpu.memory_space<semaphore_mem>>)
        %dma_wait3A_491 = arith.constant 0 : i32
        %dma_wait3A_492 = arith.constant 0 : i32
        %dma_wait3A_493 = tpu.memref_slice %arg6[%run_scoped3A_464, %dma_wait3A_491, %dma_wait3A_492] : memref<8x128x64xf32, #tpu.memory_space<vmem>> -> memref<1x128x64xf32, #tpu.memory_space<vmem>>
        %dma_wait3A_494 = tpu.memref_squeeze %dma_wait3A_493 : memref<1x128x64xf32, #tpu.memory_space<vmem>> -> memref<128x64xf32, #tpu.memory_space<vmem>>
        %dma_wait3A_495 = arith.constant 0 : i32
        %dma_wait3A_496 = tpu.memref_slice %arg4[%add3A_463, %dma_wait3A_495] : memref<819200x64xf32, #tpu.memory_space<hbm>> -> memref<128x64xf32, #tpu.memory_space<hbm>>
        %dma_wait3A_497 = arith.constant 0 : i32
        %dma_wait3A_498 = tpu.memref_slice %arg4[%add3A_463, %dma_wait3A_497] : memref<819200x64xf32, #tpu.memory_space<hbm>> -> memref<128x64xf32, #tpu.memory_space<hbm>>
        %dma_wait3A_499 = arith.constant 0 : i32
        %dma_wait3A_500 = arith.constant 0 : i32
        %dma_wait3A_501 = tpu.memref_slice %arg6[%run_scoped3A_464, %dma_wait3A_499, %dma_wait3A_500] : memref<8x128x64xf32, #tpu.memory_space<vmem>> -> memref<1x128x64xf32, #tpu.memory_space<vmem>>
        %dma_wait3A_502 = tpu.memref_squeeze %dma_wait3A_501 : memref<1x128x64xf32, #tpu.memory_space<vmem>> -> memref<128x64xf32, #tpu.memory_space<vmem>>
        tpu.wait_dma2 semaphore(%run_scoped3A_478 : memref<!tpu.dma_semaphore, #tpu.memory_space<semaphore_mem>>) src(%dma_wait3A_502 : memref<128x64xf32, #tpu.memory_space<vmem>>) dst(%dma_wait3A_498 : memref<128x64xf32, #tpu.memory_space<hbm>>)
        tpu.yield
      }) : () -> ()
      %add3A_465 = arith.constant 8 : i32
      %add3A_466 = arith.addi %add3A_449, %add3A_465 : i32
      %dma_start3A_467 = arith.constant 7 : i32
      %dma_start3A_468 = arith.constant 0 : i32
      %dma_start3A_469 = arith.constant 0 : i32
      %dma_start3A_470 = tpu.memref_slice %arg6[%dma_start3A_467, %dma_start3A_468, %dma_start3A_469] : memref<8x128x64xf32, #tpu.memory_space<vmem>> -> memref<1x128x64xf32, #tpu.memory_space<vmem>>
      %dma_start3A_471 = tpu.memref_squeeze %dma_start3A_470 : memref<1x128x64xf32, #tpu.memory_space<vmem>> -> memref<128x64xf32, #tpu.memory_space<vmem>>
      %dma_start3A_472 = arith.constant 0 : i32
      %dma_start3A_473 = tpu.memref_slice %arg5[%add3A_466, %dma_start3A_472] : memref<200x128xi32, #tpu.memory_space<vmem>> -> memref<1x128xi32, #tpu.memory_space<vmem>>
      %dma_start3A_474 = tpu.memref_squeeze %dma_start3A_473 : memref<1x128xi32, #tpu.memory_space<vmem>> -> memref<128xi32, #tpu.memory_space<vmem>>
      %dma_start3A_475 = arith.constant 0 : i32
      %dma_start3A_476 = arith.constant 0 : i32
      %dma_start3A_477 = tpu.memref_slice %arg3[%dma_start3A_475, %dma_start3A_476] : memref<1000000x64xf32, #tpu.memory_space<hbm>> -> memref<1000000x64xf32, #tpu.memory_space<hbm>>
      tpu.enqueue_indirect_dma source(%dma_start3A_477 : memref<1000000x64xf32, #tpu.memory_space<hbm>>) target(%dma_start3A_471 : memref<128x64xf32, #tpu.memory_space<vmem>>) offsets(%dma_start3A_474 : memref<128xi32, #tpu.memory_space<vmem>>) semaphore(%arg7 : memref<!tpu.dma_semaphore, #tpu.memory_space<semaphore_mem>>)
    }
    %scan3A_102 = arith.constant 24 : i32
    %dma_wait3A = arith.constant 192 : i32
    %dma_wait3A_103 = arith.constant 0 : i32
    %dma_wait3A_104 = arith.constant 0 : i32
    %dma_wait3A_105 = arith.constant 0 : i32
    %dma_wait3A_106 = tpu.memref_slice %arg6[%dma_wait3A_103, %dma_wait3A_104, %dma_wait3A_105] : memref<8x128x64xf32, #tpu.memory_space<vmem>> -> memref<1x128x64xf32, #tpu.memory_space<vmem>>
    %dma_wait3A_107 = tpu.memref_squeeze %dma_wait3A_106 : memref<1x128x64xf32, #tpu.memory_space<vmem>> -> memref<128x64xf32, #tpu.memory_space<vmem>>
    %dma_wait3A_108 = arith.constant 0 : i32
    %dma_wait3A_109 = tpu.memref_slice %arg5[%dma_wait3A, %dma_wait3A_108] : memref<200x128xi32, #tpu.memory_space<vmem>> -> memref<1x128xi32, #tpu.memory_space<vmem>>
    %dma_wait3A_110 = tpu.memref_squeeze %dma_wait3A_109 : memref<1x128xi32, #tpu.memory_space<vmem>> -> memref<128xi32, #tpu.memory_space<vmem>>
    %dma_wait3A_111 = arith.constant 0 : i32
    %dma_wait3A_112 = arith.constant 0 : i32
    %dma_wait3A_113 = tpu.memref_slice %arg3[%dma_wait3A_111, %dma_wait3A_112] : memref<1000000x64xf32, #tpu.memory_space<hbm>> -> memref<1000000x64xf32, #tpu.memory_space<hbm>>
    tpu.wait_indirect_dma semaphore(%arg7 : memref<!tpu.dma_semaphore, #tpu.memory_space<semaphore_mem>>) src(%dma_wait3A_113 : memref<1000000x64xf32, #tpu.memory_space<hbm>>) dst(%dma_wait3A_107 : memref<128x64xf32, #tpu.memory_space<vmem>>)
    %add3A_114 = arith.constant 24576 : i32
    %add3A_115 = arith.addi %mul3A_2, %add3A_114 : i32
    %run_scoped3A = arith.constant 0 : i32
    "tpu.region"() ({
      %run_scoped3A_221 = tpu.sem_alloc : memref<!tpu.dma_semaphore, #tpu.memory_space<semaphore_mem>>
      %dma_start3A_222 = arith.constant 0 : i32
      %dma_start3A_223 = arith.constant 0 : i32
      %dma_start3A_224 = tpu.memref_slice %arg6[%run_scoped3A, %dma_start3A_222, %dma_start3A_223] : memref<8x128x64xf32, #tpu.memory_space<vmem>> -> memref<1x128x64xf32, #tpu.memory_space<vmem>>
      %dma_start3A_225 = tpu.memref_squeeze %dma_start3A_224 : memref<1x128x64xf32, #tpu.memory_space<vmem>> -> memref<128x64xf32, #tpu.memory_space<vmem>>
      %dma_start3A_226 = arith.constant 0 : i32
      %dma_start3A_227 = tpu.memref_slice %arg4[%add3A_115, %dma_start3A_226] : memref<819200x64xf32, #tpu.memory_space<hbm>> -> memref<128x64xf32, #tpu.memory_space<hbm>>
      %dma_start3A_228 = arith.constant 0 : i32
      %dma_start3A_229 = tpu.memref_slice %arg4[%add3A_115, %dma_start3A_228] : memref<819200x64xf32, #tpu.memory_space<hbm>> -> memref<128x64xf32, #tpu.memory_space<hbm>>
      %dma_start3A_230 = arith.constant 0 : i32
      %dma_start3A_231 = arith.constant 0 : i32
      %dma_start3A_232 = tpu.memref_slice %arg6[%run_scoped3A, %dma_start3A_230, %dma_start3A_231] : memref<8x128x64xf32, #tpu.memory_space<vmem>> -> memref<1x128x64xf32, #tpu.memory_space<vmem>>
      %dma_start3A_233 = tpu.memref_squeeze %dma_start3A_232 : memref<1x128x64xf32, #tpu.memory_space<vmem>> -> memref<128x64xf32, #tpu.memory_space<vmem>>
      tpu.enqueue_dma source(%dma_start3A_233 : memref<128x64xf32, #tpu.memory_space<vmem>>) target(%dma_start3A_229 : memref<128x64xf32, #tpu.memory_space<hbm>>) target_semaphore(%run_scoped3A_221 : memref<!tpu.dma_semaphore, #tpu.memory_space<semaphore_mem>>)
      %dma_wait3A_234 = arith.constant 0 : i32
      %dma_wait3A_235 = arith.constant 0 : i32
      %dma_wait3A_236 = tpu.memref_slice %arg6[%run_scoped3A, %dma_wait3A_234, %dma_wait3A_235] : memref<8x128x64xf32, #tpu.memory_space<vmem>> -> memref<1x128x64xf32, #tpu.memory_space<vmem>>
      %dma_wait3A_237 = tpu.memref_squeeze %dma_wait3A_236 : memref<1x128x64xf32, #tpu.memory_space<vmem>> -> memref<128x64xf32, #tpu.memory_space<vmem>>
      %dma_wait3A_238 = arith.constant 0 : i32
      %dma_wait3A_239 = tpu.memref_slice %arg4[%add3A_115, %dma_wait3A_238] : memref<819200x64xf32, #tpu.memory_space<hbm>> -> memref<128x64xf32, #tpu.memory_space<hbm>>
      %dma_wait3A_240 = arith.constant 0 : i32
      %dma_wait3A_241 = tpu.memref_slice %arg4[%add3A_115, %dma_wait3A_240] : memref<819200x64xf32, #tpu.memory_space<hbm>> -> memref<128x64xf32, #tpu.memory_space<hbm>>
      %dma_wait3A_242 = arith.constant 0 : i32
      %dma_wait3A_243 = arith.constant 0 : i32
      %dma_wait3A_244 = tpu.memref_slice %arg6[%run_scoped3A, %dma_wait3A_242, %dma_wait3A_243] : memref<8x128x64xf32, #tpu.memory_space<vmem>> -> memref<1x128x64xf32, #tpu.memory_space<vmem>>
      %dma_wait3A_245 = tpu.memref_squeeze %dma_wait3A_244 : memref<1x128x64xf32, #tpu.memory_space<vmem>> -> memref<128x64xf32, #tpu.memory_space<vmem>>
      tpu.wait_dma2 semaphore(%run_scoped3A_221 : memref<!tpu.dma_semaphore, #tpu.memory_space<semaphore_mem>>) src(%dma_wait3A_245 : memref<128x64xf32, #tpu.memory_space<vmem>>) dst(%dma_wait3A_241 : memref<128x64xf32, #tpu.memory_space<hbm>>)
      tpu.yield
    }) : () -> ()
    %dma_wait3A_116 = arith.constant 193 : i32
    %dma_wait3A_117 = arith.constant 1 : i32
    %dma_wait3A_118 = arith.constant 0 : i32
    %dma_wait3A_119 = arith.constant 0 : i32
    %dma_wait3A_120 = tpu.memref_slice %arg6[%dma_wait3A_117, %dma_wait3A_118, %dma_wait3A_119] : memref<8x128x64xf32, #tpu.memory_space<vmem>> -> memref<1x128x64xf32, #tpu.memory_space<vmem>>
    %dma_wait3A_121 = tpu.memref_squeeze %dma_wait3A_120 : memref<1x128x64xf32, #tpu.memory_space<vmem>> -> memref<128x64xf32, #tpu.memory_space<vmem>>
    %dma_wait3A_122 = arith.constant 0 : i32
    %dma_wait3A_123 = tpu.memref_slice %arg5[%dma_wait3A_116, %dma_wait3A_122] : memref<200x128xi32, #tpu.memory_space<vmem>> -> memref<1x128xi32, #tpu.memory_space<vmem>>
    %dma_wait3A_124 = tpu.memref_squeeze %dma_wait3A_123 : memref<1x128xi32, #tpu.memory_space<vmem>> -> memref<128xi32, #tpu.memory_space<vmem>>
    %dma_wait3A_125 = arith.constant 0 : i32
    %dma_wait3A_126 = arith.constant 0 : i32
    %dma_wait3A_127 = tpu.memref_slice %arg3[%dma_wait3A_125, %dma_wait3A_126] : memref<1000000x64xf32, #tpu.memory_space<hbm>> -> memref<1000000x64xf32, #tpu.memory_space<hbm>>
    tpu.wait_indirect_dma semaphore(%arg7 : memref<!tpu.dma_semaphore, #tpu.memory_space<semaphore_mem>>) src(%dma_wait3A_127 : memref<1000000x64xf32, #tpu.memory_space<hbm>>) dst(%dma_wait3A_121 : memref<128x64xf32, #tpu.memory_space<vmem>>)
    %add3A_128 = arith.constant 24704 : i32
    %add3A_129 = arith.addi %mul3A_2, %add3A_128 : i32
    %run_scoped3A_130 = arith.constant 1 : i32
    "tpu.region"() ({
      %run_scoped3A_221 = tpu.sem_alloc : memref<!tpu.dma_semaphore, #tpu.memory_space<semaphore_mem>>
      %dma_start3A_222 = arith.constant 0 : i32
      %dma_start3A_223 = arith.constant 0 : i32
      %dma_start3A_224 = tpu.memref_slice %arg6[%run_scoped3A_130, %dma_start3A_222, %dma_start3A_223] : memref<8x128x64xf32, #tpu.memory_space<vmem>> -> memref<1x128x64xf32, #tpu.memory_space<vmem>>
      %dma_start3A_225 = tpu.memref_squeeze %dma_start3A_224 : memref<1x128x64xf32, #tpu.memory_space<vmem>> -> memref<128x64xf32, #tpu.memory_space<vmem>>
      %dma_start3A_226 = arith.constant 0 : i32
      %dma_start3A_227 = tpu.memref_slice %arg4[%add3A_129, %dma_start3A_226] : memref<819200x64xf32, #tpu.memory_space<hbm>> -> memref<128x64xf32, #tpu.memory_space<hbm>>
      %dma_start3A_228 = arith.constant 0 : i32
      %dma_start3A_229 = tpu.memref_slice %arg4[%add3A_129, %dma_start3A_228] : memref<819200x64xf32, #tpu.memory_space<hbm>> -> memref<128x64xf32, #tpu.memory_space<hbm>>
      %dma_start3A_230 = arith.constant 0 : i32
      %dma_start3A_231 = arith.constant 0 : i32
      %dma_start3A_232 = tpu.memref_slice %arg6[%run_scoped3A_130, %dma_start3A_230, %dma_start3A_231] : memref<8x128x64xf32, #tpu.memory_space<vmem>> -> memref<1x128x64xf32, #tpu.memory_space<vmem>>
      %dma_start3A_233 = tpu.memref_squeeze %dma_start3A_232 : memref<1x128x64xf32, #tpu.memory_space<vmem>> -> memref<128x64xf32, #tpu.memory_space<vmem>>
      tpu.enqueue_dma source(%dma_start3A_233 : memref<128x64xf32, #tpu.memory_space<vmem>>) target(%dma_start3A_229 : memref<128x64xf32, #tpu.memory_space<hbm>>) target_semaphore(%run_scoped3A_221 : memref<!tpu.dma_semaphore, #tpu.memory_space<semaphore_mem>>)
      %dma_wait3A_234 = arith.constant 0 : i32
      %dma_wait3A_235 = arith.constant 0 : i32
      %dma_wait3A_236 = tpu.memref_slice %arg6[%run_scoped3A_130, %dma_wait3A_234, %dma_wait3A_235] : memref<8x128x64xf32, #tpu.memory_space<vmem>> -> memref<1x128x64xf32, #tpu.memory_space<vmem>>
      %dma_wait3A_237 = tpu.memref_squeeze %dma_wait3A_236 : memref<1x128x64xf32, #tpu.memory_space<vmem>> -> memref<128x64xf32, #tpu.memory_space<vmem>>
      %dma_wait3A_238 = arith.constant 0 : i32
      %dma_wait3A_239 = tpu.memref_slice %arg4[%add3A_129, %dma_wait3A_238] : memref<819200x64xf32, #tpu.memory_space<hbm>> -> memref<128x64xf32, #tpu.memory_space<hbm>>
      %dma_wait3A_240 = arith.constant 0 : i32
      %dma_wait3A_241 = tpu.memref_slice %arg4[%add3A_129, %dma_wait3A_240] : memref<819200x64xf32, #tpu.memory_space<hbm>> -> memref<128x64xf32, #tpu.memory_space<hbm>>
      %dma_wait3A_242 = arith.constant 0 : i32
      %dma_wait3A_243 = arith.constant 0 : i32
      %dma_wait3A_244 = tpu.memref_slice %arg6[%run_scoped3A_130, %dma_wait3A_242, %dma_wait3A_243] : memref<8x128x64xf32, #tpu.memory_space<vmem>> -> memref<1x128x64xf32, #tpu.memory_space<vmem>>
      %dma_wait3A_245 = tpu.memref_squeeze %dma_wait3A_244 : memref<1x128x64xf32, #tpu.memory_space<vmem>> -> memref<128x64xf32, #tpu.memory_space<vmem>>
      tpu.wait_dma2 semaphore(%run_scoped3A_221 : memref<!tpu.dma_semaphore, #tpu.memory_space<semaphore_mem>>) src(%dma_wait3A_245 : memref<128x64xf32, #tpu.memory_space<vmem>>) dst(%dma_wait3A_241 : memref<128x64xf32, #tpu.memory_space<hbm>>)
      tpu.yield
    }) : () -> ()
    %dma_wait3A_131 = arith.constant 194 : i32
    %dma_wait3A_132 = arith.constant 2 : i32
    %dma_wait3A_133 = arith.constant 0 : i32
    %dma_wait3A_134 = arith.constant 0 : i32
    %dma_wait3A_135 = tpu.memref_slice %arg6[%dma_wait3A_132, %dma_wait3A_133, %dma_wait3A_134] : memref<8x128x64xf32, #tpu.memory_space<vmem>> -> memref<1x128x64xf32, #tpu.memory_space<vmem>>
    %dma_wait3A_136 = tpu.memref_squeeze %dma_wait3A_135 : memref<1x128x64xf32, #tpu.memory_space<vmem>> -> memref<128x64xf32, #tpu.memory_space<vmem>>
    %dma_wait3A_137 = arith.constant 0 : i32
    %dma_wait3A_138 = tpu.memref_slice %arg5[%dma_wait3A_131, %dma_wait3A_137] : memref<200x128xi32, #tpu.memory_space<vmem>> -> memref<1x128xi32, #tpu.memory_space<vmem>>
    %dma_wait3A_139 = tpu.memref_squeeze %dma_wait3A_138 : memref<1x128xi32, #tpu.memory_space<vmem>> -> memref<128xi32, #tpu.memory_space<vmem>>
    %dma_wait3A_140 = arith.constant 0 : i32
    %dma_wait3A_141 = arith.constant 0 : i32
    %dma_wait3A_142 = tpu.memref_slice %arg3[%dma_wait3A_140, %dma_wait3A_141] : memref<1000000x64xf32, #tpu.memory_space<hbm>> -> memref<1000000x64xf32, #tpu.memory_space<hbm>>
    tpu.wait_indirect_dma semaphore(%arg7 : memref<!tpu.dma_semaphore, #tpu.memory_space<semaphore_mem>>) src(%dma_wait3A_142 : memref<1000000x64xf32, #tpu.memory_space<hbm>>) dst(%dma_wait3A_136 : memref<128x64xf32, #tpu.memory_space<vmem>>)
    %add3A_143 = arith.constant 24832 : i32
    %add3A_144 = arith.addi %mul3A_2, %add3A_143 : i32
    %run_scoped3A_145 = arith.constant 2 : i32
    "tpu.region"() ({
      %run_scoped3A_221 = tpu.sem_alloc : memref<!tpu.dma_semaphore, #tpu.memory_space<semaphore_mem>>
      %dma_start3A_222 = arith.constant 0 : i32
      %dma_start3A_223 = arith.constant 0 : i32
      %dma_start3A_224 = tpu.memref_slice %arg6[%run_scoped3A_145, %dma_start3A_222, %dma_start3A_223] : memref<8x128x64xf32, #tpu.memory_space<vmem>> -> memref<1x128x64xf32, #tpu.memory_space<vmem>>
      %dma_start3A_225 = tpu.memref_squeeze %dma_start3A_224 : memref<1x128x64xf32, #tpu.memory_space<vmem>> -> memref<128x64xf32, #tpu.memory_space<vmem>>
      %dma_start3A_226 = arith.constant 0 : i32
      %dma_start3A_227 = tpu.memref_slice %arg4[%add3A_144, %dma_start3A_226] : memref<819200x64xf32, #tpu.memory_space<hbm>> -> memref<128x64xf32, #tpu.memory_space<hbm>>
      %dma_start3A_228 = arith.constant 0 : i32
      %dma_start3A_229 = tpu.memref_slice %arg4[%add3A_144, %dma_start3A_228] : memref<819200x64xf32, #tpu.memory_space<hbm>> -> memref<128x64xf32, #tpu.memory_space<hbm>>
      %dma_start3A_230 = arith.constant 0 : i32
      %dma_start3A_231 = arith.constant 0 : i32
      %dma_start3A_232 = tpu.memref_slice %arg6[%run_scoped3A_145, %dma_start3A_230, %dma_start3A_231] : memref<8x128x64xf32, #tpu.memory_space<vmem>> -> memref<1x128x64xf32, #tpu.memory_space<vmem>>
      %dma_start3A_233 = tpu.memref_squeeze %dma_start3A_232 : memref<1x128x64xf32, #tpu.memory_space<vmem>> -> memref<128x64xf32, #tpu.memory_space<vmem>>
      tpu.enqueue_dma source(%dma_start3A_233 : memref<128x64xf32, #tpu.memory_space<vmem>>) target(%dma_start3A_229 : memref<128x64xf32, #tpu.memory_space<hbm>>) target_semaphore(%run_scoped3A_221 : memref<!tpu.dma_semaphore, #tpu.memory_space<semaphore_mem>>)
      %dma_wait3A_234 = arith.constant 0 : i32
      %dma_wait3A_235 = arith.constant 0 : i32
      %dma_wait3A_236 = tpu.memref_slice %arg6[%run_scoped3A_145, %dma_wait3A_234, %dma_wait3A_235] : memref<8x128x64xf32, #tpu.memory_space<vmem>> -> memref<1x128x64xf32, #tpu.memory_space<vmem>>
      %dma_wait3A_237 = tpu.memref_squeeze %dma_wait3A_236 : memref<1x128x64xf32, #tpu.memory_space<vmem>> -> memref<128x64xf32, #tpu.memory_space<vmem>>
      %dma_wait3A_238 = arith.constant 0 : i32
      %dma_wait3A_239 = tpu.memref_slice %arg4[%add3A_144, %dma_wait3A_238] : memref<819200x64xf32, #tpu.memory_space<hbm>> -> memref<128x64xf32, #tpu.memory_space<hbm>>
      %dma_wait3A_240 = arith.constant 0 : i32
      %dma_wait3A_241 = tpu.memref_slice %arg4[%add3A_144, %dma_wait3A_240] : memref<819200x64xf32, #tpu.memory_space<hbm>> -> memref<128x64xf32, #tpu.memory_space<hbm>>
      %dma_wait3A_242 = arith.constant 0 : i32
      %dma_wait3A_243 = arith.constant 0 : i32
      %dma_wait3A_244 = tpu.memref_slice %arg6[%run_scoped3A_145, %dma_wait3A_242, %dma_wait3A_243] : memref<8x128x64xf32, #tpu.memory_space<vmem>> -> memref<1x128x64xf32, #tpu.memory_space<vmem>>
      %dma_wait3A_245 = tpu.memref_squeeze %dma_wait3A_244 : memref<1x128x64xf32, #tpu.memory_space<vmem>> -> memref<128x64xf32, #tpu.memory_space<vmem>>
      tpu.wait_dma2 semaphore(%run_scoped3A_221 : memref<!tpu.dma_semaphore, #tpu.memory_space<semaphore_mem>>) src(%dma_wait3A_245 : memref<128x64xf32, #tpu.memory_space<vmem>>) dst(%dma_wait3A_241 : memref<128x64xf32, #tpu.memory_space<hbm>>)
      tpu.yield
    }) : () -> ()
    %dma_wait3A_146 = arith.constant 195 : i32
    %dma_wait3A_147 = arith.constant 3 : i32
    %dma_wait3A_148 = arith.constant 0 : i32
    %dma_wait3A_149 = arith.constant 0 : i32
    %dma_wait3A_150 = tpu.memref_slice %arg6[%dma_wait3A_147, %dma_wait3A_148, %dma_wait3A_149] : memref<8x128x64xf32, #tpu.memory_space<vmem>> -> memref<1x128x64xf32, #tpu.memory_space<vmem>>
    %dma_wait3A_151 = tpu.memref_squeeze %dma_wait3A_150 : memref<1x128x64xf32, #tpu.memory_space<vmem>> -> memref<128x64xf32, #tpu.memory_space<vmem>>
    %dma_wait3A_152 = arith.constant 0 : i32
    %dma_wait3A_153 = tpu.memref_slice %arg5[%dma_wait3A_146, %dma_wait3A_152] : memref<200x128xi32, #tpu.memory_space<vmem>> -> memref<1x128xi32, #tpu.memory_space<vmem>>
    %dma_wait3A_154 = tpu.memref_squeeze %dma_wait3A_153 : memref<1x128xi32, #tpu.memory_space<vmem>> -> memref<128xi32, #tpu.memory_space<vmem>>
    %dma_wait3A_155 = arith.constant 0 : i32
    %dma_wait3A_156 = arith.constant 0 : i32
    %dma_wait3A_157 = tpu.memref_slice %arg3[%dma_wait3A_155, %dma_wait3A_156] : memref<1000000x64xf32, #tpu.memory_space<hbm>> -> memref<1000000x64xf32, #tpu.memory_space<hbm>>
    tpu.wait_indirect_dma semaphore(%arg7 : memref<!tpu.dma_semaphore, #tpu.memory_space<semaphore_mem>>) src(%dma_wait3A_157 : memref<1000000x64xf32, #tpu.memory_space<hbm>>) dst(%dma_wait3A_151 : memref<128x64xf32, #tpu.memory_space<vmem>>)
    %add3A_158 = arith.constant 24960 : i32
    %add3A_159 = arith.addi %mul3A_2, %add3A_158 : i32
    %run_scoped3A_160 = arith.constant 3 : i32
    "tpu.region"() ({
      %run_scoped3A_221 = tpu.sem_alloc : memref<!tpu.dma_semaphore, #tpu.memory_space<semaphore_mem>>
      %dma_start3A_222 = arith.constant 0 : i32
      %dma_start3A_223 = arith.constant 0 : i32
      %dma_start3A_224 = tpu.memref_slice %arg6[%run_scoped3A_160, %dma_start3A_222, %dma_start3A_223] : memref<8x128x64xf32, #tpu.memory_space<vmem>> -> memref<1x128x64xf32, #tpu.memory_space<vmem>>
      %dma_start3A_225 = tpu.memref_squeeze %dma_start3A_224 : memref<1x128x64xf32, #tpu.memory_space<vmem>> -> memref<128x64xf32, #tpu.memory_space<vmem>>
      %dma_start3A_226 = arith.constant 0 : i32
      %dma_start3A_227 = tpu.memref_slice %arg4[%add3A_159, %dma_start3A_226] : memref<819200x64xf32, #tpu.memory_space<hbm>> -> memref<128x64xf32, #tpu.memory_space<hbm>>
      %dma_start3A_228 = arith.constant 0 : i32
      %dma_start3A_229 = tpu.memref_slice %arg4[%add3A_159, %dma_start3A_228] : memref<819200x64xf32, #tpu.memory_space<hbm>> -> memref<128x64xf32, #tpu.memory_space<hbm>>
      %dma_start3A_230 = arith.constant 0 : i32
      %dma_start3A_231 = arith.constant 0 : i32
      %dma_start3A_232 = tpu.memref_slice %arg6[%run_scoped3A_160, %dma_start3A_230, %dma_start3A_231] : memref<8x128x64xf32, #tpu.memory_space<vmem>> -> memref<1x128x64xf32, #tpu.memory_space<vmem>>
      %dma_start3A_233 = tpu.memref_squeeze %dma_start3A_232 : memref<1x128x64xf32, #tpu.memory_space<vmem>> -> memref<128x64xf32, #tpu.memory_space<vmem>>
      tpu.enqueue_dma source(%dma_start3A_233 : memref<128x64xf32, #tpu.memory_space<vmem>>) target(%dma_start3A_229 : memref<128x64xf32, #tpu.memory_space<hbm>>) target_semaphore(%run_scoped3A_221 : memref<!tpu.dma_semaphore, #tpu.memory_space<semaphore_mem>>)
      %dma_wait3A_234 = arith.constant 0 : i32
      %dma_wait3A_235 = arith.constant 0 : i32
      %dma_wait3A_236 = tpu.memref_slice %arg6[%run_scoped3A_160, %dma_wait3A_234, %dma_wait3A_235] : memref<8x128x64xf32, #tpu.memory_space<vmem>> -> memref<1x128x64xf32, #tpu.memory_space<vmem>>
      %dma_wait3A_237 = tpu.memref_squeeze %dma_wait3A_236 : memref<1x128x64xf32, #tpu.memory_space<vmem>> -> memref<128x64xf32, #tpu.memory_space<vmem>>
      %dma_wait3A_238 = arith.constant 0 : i32
      %dma_wait3A_239 = tpu.memref_slice %arg4[%add3A_159, %dma_wait3A_238] : memref<819200x64xf32, #tpu.memory_space<hbm>> -> memref<128x64xf32, #tpu.memory_space<hbm>>
      %dma_wait3A_240 = arith.constant 0 : i32
      %dma_wait3A_241 = tpu.memref_slice %arg4[%add3A_159, %dma_wait3A_240] : memref<819200x64xf32, #tpu.memory_space<hbm>> -> memref<128x64xf32, #tpu.memory_space<hbm>>
      %dma_wait3A_242 = arith.constant 0 : i32
      %dma_wait3A_243 = arith.constant 0 : i32
      %dma_wait3A_244 = tpu.memref_slice %arg6[%run_scoped3A_160, %dma_wait3A_242, %dma_wait3A_243] : memref<8x128x64xf32, #tpu.memory_space<vmem>> -> memref<1x128x64xf32, #tpu.memory_space<vmem>>
      %dma_wait3A_245 = tpu.memref_squeeze %dma_wait3A_244 : memref<1x128x64xf32, #tpu.memory_space<vmem>> -> memref<128x64xf32, #tpu.memory_space<vmem>>
      tpu.wait_dma2 semaphore(%run_scoped3A_221 : memref<!tpu.dma_semaphore, #tpu.memory_space<semaphore_mem>>) src(%dma_wait3A_245 : memref<128x64xf32, #tpu.memory_space<vmem>>) dst(%dma_wait3A_241 : memref<128x64xf32, #tpu.memory_space<hbm>>)
      tpu.yield
    }) : () -> ()
    %dma_wait3A_161 = arith.constant 196 : i32
    %dma_wait3A_162 = arith.constant 4 : i32
    %dma_wait3A_163 = arith.constant 0 : i32
    %dma_wait3A_164 = arith.constant 0 : i32
    %dma_wait3A_165 = tpu.memref_slice %arg6[%dma_wait3A_162, %dma_wait3A_163, %dma_wait3A_164] : memref<8x128x64xf32, #tpu.memory_space<vmem>> -> memref<1x128x64xf32, #tpu.memory_space<vmem>>
    %dma_wait3A_166 = tpu.memref_squeeze %dma_wait3A_165 : memref<1x128x64xf32, #tpu.memory_space<vmem>> -> memref<128x64xf32, #tpu.memory_space<vmem>>
    %dma_wait3A_167 = arith.constant 0 : i32
    %dma_wait3A_168 = tpu.memref_slice %arg5[%dma_wait3A_161, %dma_wait3A_167] : memref<200x128xi32, #tpu.memory_space<vmem>> -> memref<1x128xi32, #tpu.memory_space<vmem>>
    %dma_wait3A_169 = tpu.memref_squeeze %dma_wait3A_168 : memref<1x128xi32, #tpu.memory_space<vmem>> -> memref<128xi32, #tpu.memory_space<vmem>>
    %dma_wait3A_170 = arith.constant 0 : i32
    %dma_wait3A_171 = arith.constant 0 : i32
    %dma_wait3A_172 = tpu.memref_slice %arg3[%dma_wait3A_170, %dma_wait3A_171] : memref<1000000x64xf32, #tpu.memory_space<hbm>> -> memref<1000000x64xf32, #tpu.memory_space<hbm>>
    tpu.wait_indirect_dma semaphore(%arg7 : memref<!tpu.dma_semaphore, #tpu.memory_space<semaphore_mem>>) src(%dma_wait3A_172 : memref<1000000x64xf32, #tpu.memory_space<hbm>>) dst(%dma_wait3A_166 : memref<128x64xf32, #tpu.memory_space<vmem>>)
    %add3A_173 = arith.constant 25088 : i32
    %add3A_174 = arith.addi %mul3A_2, %add3A_173 : i32
    %run_scoped3A_175 = arith.constant 4 : i32
    "tpu.region"() ({
      %run_scoped3A_221 = tpu.sem_alloc : memref<!tpu.dma_semaphore, #tpu.memory_space<semaphore_mem>>
      %dma_start3A_222 = arith.constant 0 : i32
      %dma_start3A_223 = arith.constant 0 : i32
      %dma_start3A_224 = tpu.memref_slice %arg6[%run_scoped3A_175, %dma_start3A_222, %dma_start3A_223] : memref<8x128x64xf32, #tpu.memory_space<vmem>> -> memref<1x128x64xf32, #tpu.memory_space<vmem>>
      %dma_start3A_225 = tpu.memref_squeeze %dma_start3A_224 : memref<1x128x64xf32, #tpu.memory_space<vmem>> -> memref<128x64xf32, #tpu.memory_space<vmem>>
      %dma_start3A_226 = arith.constant 0 : i32
      %dma_start3A_227 = tpu.memref_slice %arg4[%add3A_174, %dma_start3A_226] : memref<819200x64xf32, #tpu.memory_space<hbm>> -> memref<128x64xf32, #tpu.memory_space<hbm>>
      %dma_start3A_228 = arith.constant 0 : i32
      %dma_start3A_229 = tpu.memref_slice %arg4[%add3A_174, %dma_start3A_228] : memref<819200x64xf32, #tpu.memory_space<hbm>> -> memref<128x64xf32, #tpu.memory_space<hbm>>
      %dma_start3A_230 = arith.constant 0 : i32
      %dma_start3A_231 = arith.constant 0 : i32
      %dma_start3A_232 = tpu.memref_slice %arg6[%run_scoped3A_175, %dma_start3A_230, %dma_start3A_231] : memref<8x128x64xf32, #tpu.memory_space<vmem>> -> memref<1x128x64xf32, #tpu.memory_space<vmem>>
      %dma_start3A_233 = tpu.memref_squeeze %dma_start3A_232 : memref<1x128x64xf32, #tpu.memory_space<vmem>> -> memref<128x64xf32, #tpu.memory_space<vmem>>
      tpu.enqueue_dma source(%dma_start3A_233 : memref<128x64xf32, #tpu.memory_space<vmem>>) target(%dma_start3A_229 : memref<128x64xf32, #tpu.memory_space<hbm>>) target_semaphore(%run_scoped3A_221 : memref<!tpu.dma_semaphore, #tpu.memory_space<semaphore_mem>>)
      %dma_wait3A_234 = arith.constant 0 : i32
      %dma_wait3A_235 = arith.constant 0 : i32
      %dma_wait3A_236 = tpu.memref_slice %arg6[%run_scoped3A_175, %dma_wait3A_234, %dma_wait3A_235] : memref<8x128x64xf32, #tpu.memory_space<vmem>> -> memref<1x128x64xf32, #tpu.memory_space<vmem>>
      %dma_wait3A_237 = tpu.memref_squeeze %dma_wait3A_236 : memref<1x128x64xf32, #tpu.memory_space<vmem>> -> memref<128x64xf32, #tpu.memory_space<vmem>>
      %dma_wait3A_238 = arith.constant 0 : i32
      %dma_wait3A_239 = tpu.memref_slice %arg4[%add3A_174, %dma_wait3A_238] : memref<819200x64xf32, #tpu.memory_space<hbm>> -> memref<128x64xf32, #tpu.memory_space<hbm>>
      %dma_wait3A_240 = arith.constant 0 : i32
      %dma_wait3A_241 = tpu.memref_slice %arg4[%add3A_174, %dma_wait3A_240] : memref<819200x64xf32, #tpu.memory_space<hbm>> -> memref<128x64xf32, #tpu.memory_space<hbm>>
      %dma_wait3A_242 = arith.constant 0 : i32
      %dma_wait3A_243 = arith.constant 0 : i32
      %dma_wait3A_244 = tpu.memref_slice %arg6[%run_scoped3A_175, %dma_wait3A_242, %dma_wait3A_243] : memref<8x128x64xf32, #tpu.memory_space<vmem>> -> memref<1x128x64xf32, #tpu.memory_space<vmem>>
      %dma_wait3A_245 = tpu.memref_squeeze %dma_wait3A_244 : memref<1x128x64xf32, #tpu.memory_space<vmem>> -> memref<128x64xf32, #tpu.memory_space<vmem>>
      tpu.wait_dma2 semaphore(%run_scoped3A_221 : memref<!tpu.dma_semaphore, #tpu.memory_space<semaphore_mem>>) src(%dma_wait3A_245 : memref<128x64xf32, #tpu.memory_space<vmem>>) dst(%dma_wait3A_241 : memref<128x64xf32, #tpu.memory_space<hbm>>)
      tpu.yield
    }) : () -> ()
    %dma_wait3A_176 = arith.constant 197 : i32
    %dma_wait3A_177 = arith.constant 5 : i32
    %dma_wait3A_178 = arith.constant 0 : i32
    %dma_wait3A_179 = arith.constant 0 : i32
    %dma_wait3A_180 = tpu.memref_slice %arg6[%dma_wait3A_177, %dma_wait3A_178, %dma_wait3A_179] : memref<8x128x64xf32, #tpu.memory_space<vmem>> -> memref<1x128x64xf32, #tpu.memory_space<vmem>>
    %dma_wait3A_181 = tpu.memref_squeeze %dma_wait3A_180 : memref<1x128x64xf32, #tpu.memory_space<vmem>> -> memref<128x64xf32, #tpu.memory_space<vmem>>
    %dma_wait3A_182 = arith.constant 0 : i32
    %dma_wait3A_183 = tpu.memref_slice %arg5[%dma_wait3A_176, %dma_wait3A_182] : memref<200x128xi32, #tpu.memory_space<vmem>> -> memref<1x128xi32, #tpu.memory_space<vmem>>
    %dma_wait3A_184 = tpu.memref_squeeze %dma_wait3A_183 : memref<1x128xi32, #tpu.memory_space<vmem>> -> memref<128xi32, #tpu.memory_space<vmem>>
    %dma_wait3A_185 = arith.constant 0 : i32
    %dma_wait3A_186 = arith.constant 0 : i32
    %dma_wait3A_187 = tpu.memref_slice %arg3[%dma_wait3A_185, %dma_wait3A_186] : memref<1000000x64xf32, #tpu.memory_space<hbm>> -> memref<1000000x64xf32, #tpu.memory_space<hbm>>
    tpu.wait_indirect_dma semaphore(%arg7 : memref<!tpu.dma_semaphore, #tpu.memory_space<semaphore_mem>>) src(%dma_wait3A_187 : memref<1000000x64xf32, #tpu.memory_space<hbm>>) dst(%dma_wait3A_181 : memref<128x64xf32, #tpu.memory_space<vmem>>)
    %add3A_188 = arith.constant 25216 : i32
    %add3A_189 = arith.addi %mul3A_2, %add3A_188 : i32
    %run_scoped3A_190 = arith.constant 5 : i32
    "tpu.region"() ({
      %run_scoped3A_221 = tpu.sem_alloc : memref<!tpu.dma_semaphore, #tpu.memory_space<semaphore_mem>>
      %dma_start3A_222 = arith.constant 0 : i32
      %dma_start3A_223 = arith.constant 0 : i32
      %dma_start3A_224 = tpu.memref_slice %arg6[%run_scoped3A_190, %dma_start3A_222, %dma_start3A_223] : memref<8x128x64xf32, #tpu.memory_space<vmem>> -> memref<1x128x64xf32, #tpu.memory_space<vmem>>
      %dma_start3A_225 = tpu.memref_squeeze %dma_start3A_224 : memref<1x128x64xf32, #tpu.memory_space<vmem>> -> memref<128x64xf32, #tpu.memory_space<vmem>>
      %dma_start3A_226 = arith.constant 0 : i32
      %dma_start3A_227 = tpu.memref_slice %arg4[%add3A_189, %dma_start3A_226] : memref<819200x64xf32, #tpu.memory_space<hbm>> -> memref<128x64xf32, #tpu.memory_space<hbm>>
      %dma_start3A_228 = arith.constant 0 : i32
      %dma_start3A_229 = tpu.memref_slice %arg4[%add3A_189, %dma_start3A_228] : memref<819200x64xf32, #tpu.memory_space<hbm>> -> memref<128x64xf32, #tpu.memory_space<hbm>>
      %dma_start3A_230 = arith.constant 0 : i32
      %dma_start3A_231 = arith.constant 0 : i32
      %dma_start3A_232 = tpu.memref_slice %arg6[%run_scoped3A_190, %dma_start3A_230, %dma_start3A_231] : memref<8x128x64xf32, #tpu.memory_space<vmem>> -> memref<1x128x64xf32, #tpu.memory_space<vmem>>
      %dma_start3A_233 = tpu.memref_squeeze %dma_start3A_232 : memref<1x128x64xf32, #tpu.memory_space<vmem>> -> memref<128x64xf32, #tpu.memory_space<vmem>>
      tpu.enqueue_dma source(%dma_start3A_233 : memref<128x64xf32, #tpu.memory_space<vmem>>) target(%dma_start3A_229 : memref<128x64xf32, #tpu.memory_space<hbm>>) target_semaphore(%run_scoped3A_221 : memref<!tpu.dma_semaphore, #tpu.memory_space<semaphore_mem>>)
      %dma_wait3A_234 = arith.constant 0 : i32
      %dma_wait3A_235 = arith.constant 0 : i32
      %dma_wait3A_236 = tpu.memref_slice %arg6[%run_scoped3A_190, %dma_wait3A_234, %dma_wait3A_235] : memref<8x128x64xf32, #tpu.memory_space<vmem>> -> memref<1x128x64xf32, #tpu.memory_space<vmem>>
      %dma_wait3A_237 = tpu.memref_squeeze %dma_wait3A_236 : memref<1x128x64xf32, #tpu.memory_space<vmem>> -> memref<128x64xf32, #tpu.memory_space<vmem>>
      %dma_wait3A_238 = arith.constant 0 : i32
      %dma_wait3A_239 = tpu.memref_slice %arg4[%add3A_189, %dma_wait3A_238] : memref<819200x64xf32, #tpu.memory_space<hbm>> -> memref<128x64xf32, #tpu.memory_space<hbm>>
      %dma_wait3A_240 = arith.constant 0 : i32
      %dma_wait3A_241 = tpu.memref_slice %arg4[%add3A_189, %dma_wait3A_240] : memref<819200x64xf32, #tpu.memory_space<hbm>> -> memref<128x64xf32, #tpu.memory_space<hbm>>
      %dma_wait3A_242 = arith.constant 0 : i32
      %dma_wait3A_243 = arith.constant 0 : i32
      %dma_wait3A_244 = tpu.memref_slice %arg6[%run_scoped3A_190, %dma_wait3A_242, %dma_wait3A_243] : memref<8x128x64xf32, #tpu.memory_space<vmem>> -> memref<1x128x64xf32, #tpu.memory_space<vmem>>
      %dma_wait3A_245 = tpu.memref_squeeze %dma_wait3A_244 : memref<1x128x64xf32, #tpu.memory_space<vmem>> -> memref<128x64xf32, #tpu.memory_space<vmem>>
      tpu.wait_dma2 semaphore(%run_scoped3A_221 : memref<!tpu.dma_semaphore, #tpu.memory_space<semaphore_mem>>) src(%dma_wait3A_245 : memref<128x64xf32, #tpu.memory_space<vmem>>) dst(%dma_wait3A_241 : memref<128x64xf32, #tpu.memory_space<hbm>>)
      tpu.yield
    }) : () -> ()
    %dma_wait3A_191 = arith.constant 198 : i32
    %dma_wait3A_192 = arith.constant 6 : i32
    %dma_wait3A_193 = arith.constant 0 : i32
    %dma_wait3A_194 = arith.constant 0 : i32
    %dma_wait3A_195 = tpu.memref_slice %arg6[%dma_wait3A_192, %dma_wait3A_193, %dma_wait3A_194] : memref<8x128x64xf32, #tpu.memory_space<vmem>> -> memref<1x128x64xf32, #tpu.memory_space<vmem>>
    %dma_wait3A_196 = tpu.memref_squeeze %dma_wait3A_195 : memref<1x128x64xf32, #tpu.memory_space<vmem>> -> memref<128x64xf32, #tpu.memory_space<vmem>>
    %dma_wait3A_197 = arith.constant 0 : i32
    %dma_wait3A_198 = tpu.memref_slice %arg5[%dma_wait3A_191, %dma_wait3A_197] : memref<200x128xi32, #tpu.memory_space<vmem>> -> memref<1x128xi32, #tpu.memory_space<vmem>>
    %dma_wait3A_199 = tpu.memref_squeeze %dma_wait3A_198 : memref<1x128xi32, #tpu.memory_space<vmem>> -> memref<128xi32, #tpu.memory_space<vmem>>
    %dma_wait3A_200 = arith.constant 0 : i32
    %dma_wait3A_201 = arith.constant 0 : i32
    %dma_wait3A_202 = tpu.memref_slice %arg3[%dma_wait3A_200, %dma_wait3A_201] : memref<1000000x64xf32, #tpu.memory_space<hbm>> -> memref<1000000x64xf32, #tpu.memory_space<hbm>>
    tpu.wait_indirect_dma semaphore(%arg7 : memref<!tpu.dma_semaphore, #tpu.memory_space<semaphore_mem>>) src(%dma_wait3A_202 : memref<1000000x64xf32, #tpu.memory_space<hbm>>) dst(%dma_wait3A_196 : memref<128x64xf32, #tpu.memory_space<vmem>>)
    %add3A_203 = arith.constant 25344 : i32
    %add3A_204 = arith.addi %mul3A_2, %add3A_203 : i32
    %run_scoped3A_205 = arith.constant 6 : i32
    "tpu.region"() ({
      %run_scoped3A_221 = tpu.sem_alloc : memref<!tpu.dma_semaphore, #tpu.memory_space<semaphore_mem>>
      %dma_start3A_222 = arith.constant 0 : i32
      %dma_start3A_223 = arith.constant 0 : i32
      %dma_start3A_224 = tpu.memref_slice %arg6[%run_scoped3A_205, %dma_start3A_222, %dma_start3A_223] : memref<8x128x64xf32, #tpu.memory_space<vmem>> -> memref<1x128x64xf32, #tpu.memory_space<vmem>>
      %dma_start3A_225 = tpu.memref_squeeze %dma_start3A_224 : memref<1x128x64xf32, #tpu.memory_space<vmem>> -> memref<128x64xf32, #tpu.memory_space<vmem>>
      %dma_start3A_226 = arith.constant 0 : i32
      %dma_start3A_227 = tpu.memref_slice %arg4[%add3A_204, %dma_start3A_226] : memref<819200x64xf32, #tpu.memory_space<hbm>> -> memref<128x64xf32, #tpu.memory_space<hbm>>
      %dma_start3A_228 = arith.constant 0 : i32
      %dma_start3A_229 = tpu.memref_slice %arg4[%add3A_204, %dma_start3A_228] : memref<819200x64xf32, #tpu.memory_space<hbm>> -> memref<128x64xf32, #tpu.memory_space<hbm>>
      %dma_start3A_230 = arith.constant 0 : i32
      %dma_start3A_231 = arith.constant 0 : i32
      %dma_start3A_232 = tpu.memref_slice %arg6[%run_scoped3A_205, %dma_start3A_230, %dma_start3A_231] : memref<8x128x64xf32, #tpu.memory_space<vmem>> -> memref<1x128x64xf32, #tpu.memory_space<vmem>>
      %dma_start3A_233 = tpu.memref_squeeze %dma_start3A_232 : memref<1x128x64xf32, #tpu.memory_space<vmem>> -> memref<128x64xf32, #tpu.memory_space<vmem>>
      tpu.enqueue_dma source(%dma_start3A_233 : memref<128x64xf32, #tpu.memory_space<vmem>>) target(%dma_start3A_229 : memref<128x64xf32, #tpu.memory_space<hbm>>) target_semaphore(%run_scoped3A_221 : memref<!tpu.dma_semaphore, #tpu.memory_space<semaphore_mem>>)
      %dma_wait3A_234 = arith.constant 0 : i32
      %dma_wait3A_235 = arith.constant 0 : i32
      %dma_wait3A_236 = tpu.memref_slice %arg6[%run_scoped3A_205, %dma_wait3A_234, %dma_wait3A_235] : memref<8x128x64xf32, #tpu.memory_space<vmem>> -> memref<1x128x64xf32, #tpu.memory_space<vmem>>
      %dma_wait3A_237 = tpu.memref_squeeze %dma_wait3A_236 : memref<1x128x64xf32, #tpu.memory_space<vmem>> -> memref<128x64xf32, #tpu.memory_space<vmem>>
      %dma_wait3A_238 = arith.constant 0 : i32
      %dma_wait3A_239 = tpu.memref_slice %arg4[%add3A_204, %dma_wait3A_238] : memref<819200x64xf32, #tpu.memory_space<hbm>> -> memref<128x64xf32, #tpu.memory_space<hbm>>
      %dma_wait3A_240 = arith.constant 0 : i32
      %dma_wait3A_241 = tpu.memref_slice %arg4[%add3A_204, %dma_wait3A_240] : memref<819200x64xf32, #tpu.memory_space<hbm>> -> memref<128x64xf32, #tpu.memory_space<hbm>>
      %dma_wait3A_242 = arith.constant 0 : i32
      %dma_wait3A_243 = arith.constant 0 : i32
      %dma_wait3A_244 = tpu.memref_slice %arg6[%run_scoped3A_205, %dma_wait3A_242, %dma_wait3A_243] : memref<8x128x64xf32, #tpu.memory_space<vmem>> -> memref<1x128x64xf32, #tpu.memory_space<vmem>>
      %dma_wait3A_245 = tpu.memref_squeeze %dma_wait3A_244 : memref<1x128x64xf32, #tpu.memory_space<vmem>> -> memref<128x64xf32, #tpu.memory_space<vmem>>
      tpu.wait_dma2 semaphore(%run_scoped3A_221 : memref<!tpu.dma_semaphore, #tpu.memory_space<semaphore_mem>>) src(%dma_wait3A_245 : memref<128x64xf32, #tpu.memory_space<vmem>>) dst(%dma_wait3A_241 : memref<128x64xf32, #tpu.memory_space<hbm>>)
      tpu.yield
    }) : () -> ()
    %dma_wait3A_206 = arith.constant 199 : i32
    %dma_wait3A_207 = arith.constant 7 : i32
    %dma_wait3A_208 = arith.constant 0 : i32
    %dma_wait3A_209 = arith.constant 0 : i32
    %dma_wait3A_210 = tpu.memref_slice %arg6[%dma_wait3A_207, %dma_wait3A_208, %dma_wait3A_209] : memref<8x128x64xf32, #tpu.memory_space<vmem>> -> memref<1x128x64xf32, #tpu.memory_space<vmem>>
    %dma_wait3A_211 = tpu.memref_squeeze %dma_wait3A_210 : memref<1x128x64xf32, #tpu.memory_space<vmem>> -> memref<128x64xf32, #tpu.memory_space<vmem>>
    %dma_wait3A_212 = arith.constant 0 : i32
    %dma_wait3A_213 = tpu.memref_slice %arg5[%dma_wait3A_206, %dma_wait3A_212] : memref<200x128xi32, #tpu.memory_space<vmem>> -> memref<1x128xi32, #tpu.memory_space<vmem>>
    %dma_wait3A_214 = tpu.memref_squeeze %dma_wait3A_213 : memref<1x128xi32, #tpu.memory_space<vmem>> -> memref<128xi32, #tpu.memory_space<vmem>>
    %dma_wait3A_215 = arith.constant 0 : i32
    %dma_wait3A_216 = arith.constant 0 : i32
    %dma_wait3A_217 = tpu.memref_slice %arg3[%dma_wait3A_215, %dma_wait3A_216] : memref<1000000x64xf32, #tpu.memory_space<hbm>> -> memref<1000000x64xf32, #tpu.memory_space<hbm>>
    tpu.wait_indirect_dma semaphore(%arg7 : memref<!tpu.dma_semaphore, #tpu.memory_space<semaphore_mem>>) src(%dma_wait3A_217 : memref<1000000x64xf32, #tpu.memory_space<hbm>>) dst(%dma_wait3A_211 : memref<128x64xf32, #tpu.memory_space<vmem>>)
    %add3A_218 = arith.constant 25472 : i32
    %add3A_219 = arith.addi %mul3A_2, %add3A_218 : i32
    %run_scoped3A_220 = arith.constant 7 : i32
    "tpu.region"() ({
      %run_scoped3A_221 = tpu.sem_alloc : memref<!tpu.dma_semaphore, #tpu.memory_space<semaphore_mem>>
      %dma_start3A_222 = arith.constant 0 : i32
      %dma_start3A_223 = arith.constant 0 : i32
      %dma_start3A_224 = tpu.memref_slice %arg6[%run_scoped3A_220, %dma_start3A_222, %dma_start3A_223] : memref<8x128x64xf32, #tpu.memory_space<vmem>> -> memref<1x128x64xf32, #tpu.memory_space<vmem>>
      %dma_start3A_225 = tpu.memref_squeeze %dma_start3A_224 : memref<1x128x64xf32, #tpu.memory_space<vmem>> -> memref<128x64xf32, #tpu.memory_space<vmem>>
      %dma_start3A_226 = arith.constant 0 : i32
      %dma_start3A_227 = tpu.memref_slice %arg4[%add3A_219, %dma_start3A_226] : memref<819200x64xf32, #tpu.memory_space<hbm>> -> memref<128x64xf32, #tpu.memory_space<hbm>>
      %dma_start3A_228 = arith.constant 0 : i32
      %dma_start3A_229 = tpu.memref_slice %arg4[%add3A_219, %dma_start3A_228] : memref<819200x64xf32, #tpu.memory_space<hbm>> -> memref<128x64xf32, #tpu.memory_space<hbm>>
      %dma_start3A_230 = arith.constant 0 : i32
      %dma_start3A_231 = arith.constant 0 : i32
      %dma_start3A_232 = tpu.memref_slice %arg6[%run_scoped3A_220, %dma_start3A_230, %dma_start3A_231] : memref<8x128x64xf32, #tpu.memory_space<vmem>> -> memref<1x128x64xf32, #tpu.memory_space<vmem>>
      %dma_start3A_233 = tpu.memref_squeeze %dma_start3A_232 : memref<1x128x64xf32, #tpu.memory_space<vmem>> -> memref<128x64xf32, #tpu.memory_space<vmem>>
      tpu.enqueue_dma source(%dma_start3A_233 : memref<128x64xf32, #tpu.memory_space<vmem>>) target(%dma_start3A_229 : memref<128x64xf32, #tpu.memory_space<hbm>>) target_semaphore(%run_scoped3A_221 : memref<!tpu.dma_semaphore, #tpu.memory_space<semaphore_mem>>)
      %dma_wait3A_234 = arith.constant 0 : i32
      %dma_wait3A_235 = arith.constant 0 : i32
      %dma_wait3A_236 = tpu.memref_slice %arg6[%run_scoped3A_220, %dma_wait3A_234, %dma_wait3A_235] : memref<8x128x64xf32, #tpu.memory_space<vmem>> -> memref<1x128x64xf32, #tpu.memory_space<vmem>>
      %dma_wait3A_237 = tpu.memref_squeeze %dma_wait3A_236 : memref<1x128x64xf32, #tpu.memory_space<vmem>> -> memref<128x64xf32, #tpu.memory_space<vmem>>
      %dma_wait3A_238 = arith.constant 0 : i32
      %dma_wait3A_239 = tpu.memref_slice %arg4[%add3A_219, %dma_wait3A_238] : memref<819200x64xf32, #tpu.memory_space<hbm>> -> memref<128x64xf32, #tpu.memory_space<hbm>>
      %dma_wait3A_240 = arith.constant 0 : i32
      %dma_wait3A_241 = tpu.memref_slice %arg4[%add3A_219, %dma_wait3A_240] : memref<819200x64xf32, #tpu.memory_space<hbm>> -> memref<128x64xf32, #tpu.memory_space<hbm>>
      %dma_wait3A_242 = arith.constant 0 : i32
      %dma_wait3A_243 = arith.constant 0 : i32
      %dma_wait3A_244 = tpu.memref_slice %arg6[%run_scoped3A_220, %dma_wait3A_242, %dma_wait3A_243] : memref<8x128x64xf32, #tpu.memory_space<vmem>> -> memref<1x128x64xf32, #tpu.memory_space<vmem>>
      %dma_wait3A_245 = tpu.memref_squeeze %dma_wait3A_244 : memref<1x128x64xf32, #tpu.memory_space<vmem>> -> memref<128x64xf32, #tpu.memory_space<vmem>>
      tpu.wait_dma2 semaphore(%run_scoped3A_221 : memref<!tpu.dma_semaphore, #tpu.memory_space<semaphore_mem>>) src(%dma_wait3A_245 : memref<128x64xf32, #tpu.memory_space<vmem>>) dst(%dma_wait3A_241 : memref<128x64xf32, #tpu.memory_space<hbm>>)
      tpu.yield
    }) : () -> ()
    return
  }
}

</mosaic_0001>

<sc_bundles>
// kernel: kernel.3.cloned.1.call-start
scs
__scs_entry_jumppad:
0x0: {  	(pc) =	sbr.rel $0x88, $3  }
0x1: {  	(tag) =	ssettag $0x0;
	lr =	simm.s32 $0x1  }
0x2: {  	[smem:$0x3F9F] =	sst lr;
	_ =	strace $0xD0000000  }
0x3: {  	_ = 	snop  }
0x4: {  	_ = 	snop  }
0x5: {  	_ = 	snop  }
0x6: {  	_ = 	snop  }
0x7: {  	_ = 	snop  }
__scs_overlays_trampoline_lowered:
0x8: {  	[smem:$0x3FAE] =	sst s0  }
0x9: {  	[smem:$0x3FAF] =	sst s1  }
0xa: {  	[smem:$0x3FB0] =	sst s2  }
0xb: {  	[smem:$0x3FB1] =	sst s3  }
0xc: {  	[smem:$0x3FB2] =	sst s4  }
0xd: {  	[smem:$0x3FB3] =	sst s5  }
0xe: {  	[smem:$0x3FB4] =	sst s6  }
0xf: {  	[smem:$0x3FB5] =	sst s7  }
0x10: {  	[smem:$0x3FB6] =	sst s8  }
0x11: {  	[smem:$0x3FB7] =	sst s9;
	s0 =	simm.s32 @!p0 $0x0  }
0x12: {  	s1 =	sld [smem:$0x3F9D];
	s0 =	simm.s32 @p0 $0x1  }
0x13: {  	[smem:$0x3FB8] =	sst s0;
	s0 =	simm.s32 @!p1 $0x0  }
0x14: {  	s2 =	sld [smem:$0x3F9C];
	s0 =	simm.s32 @p1 $0x1  }
0x15: {  	[smem:$0x3FB9] =	sst s0;
	s0 =	simm.s32 @!p2 $0x0  }
0x16: {  	s3 =	sld [smem:$0x3FDB];
	s0 =	simm.s32 @p2 $0x1  }
0x17: {  	s4 =	simm.s32 $0x1BF5;
	[smem:$0x3FBB] =	sst s0  }
0x18: {  	s0 =	sld [smem:$0x3F9E];
	_ =	swait.ge [sflag:s4], $0x0  }
0x19: {  	s7 =	sld [smem:$0x3F9F]  }
0x1a: {  	s8 =	sadd.s32 $0xFFFFE003, lr  }
0x1b: {  	s9 =	sadd.s32 $0xFFFFFEF7, lr;
	s5 =	simm.s32 $0xFFFFFFFF;
	p2 =	slt.u32 s8, $0xFFFFF086  }
0x1c: {  	p1 =	slt.u32 s9, $0xF7A;
	s5 =	simm.s32 @!p2 $0x0  }
0x1d: {  	s5 =	simm.s32 @p1 $0x1;
	p0 =	seq.s32 s7, s2  }
0x1e: {  	s7 =	smul.u32 @!p0 $0xF7A, s2;
	p2 =	seq.s32 @!p0 s5, $0x0  }
0x1f: {  	s9 =	smul.u32 $0xF7A, s1;
	s8 =	simm.s32 @!p0 $0x1BF5;
	p2 =	por !p2, p0  }
0x20: {  	[sflag:s8] =	ssyncset.s32 @!p0 $0xFFFFF086;
	s6 =	sadd.s32 @!p0 s3, s7;
	s7 =	simm.s32 @!p0 $0x108  }
0x21: {  	s3 =	sadd.s32 s3, s9;
	s6 =	sadd.s32 @!p0 $0x88, s6;
	s7 =	simm.s32 @p2 $0x1082  }
0x22: {  	[simem:s7], [sflag:s8] =	dma.local @!p0 [hbm:s6], $0xF7A  }
0x23: {  	s9 =	sor.u32 $0xD0000000, s2;
	s6 =	simm.s32 $0x108;
	_ =	swait.ge @!p0 [sflag:s8], $0x0  }
0x24: {  	s3 =	sadd.s32 $0x88, s3;
	s6 =	simm.s32 @!p1 $0x1082;
	[sflag:s4] =	ssyncset.s32 $0xFFFFF086  }
0x25: {  	[simem:s6], [sflag:s4] =	dma.local [hbm:s3], $0xF7A  }
0x26: {  	[smem:$0x3F9F] =	sst s1;
	(tag) =	ssettag s2;
	_ =	strace s9  }
0x27: {  	s1 =	sld [smem:$0x3FAF]  }
0x28: {  	s2 =	sld [smem:$0x3FB0]  }
0x29: {  	s4 =	sld [smem:$0x3FB2]  }
0x2a: {  	p0 =	seq.s32 s5, $0x0;
	s5 =	sld [smem:$0x3FB3]  }
0x2b: {  	s6 =	sld [smem:$0x3FB4]  }
0x2c: {  	s7 =	sld [smem:$0x3FB5]  }
0x2d: {  	s3 =	simm.s32 $0x108;
	s8 =	sld [smem:$0x3FB6]  }
0x2e: {  	s3 =	simm.s32 @!p0 $0x1082;
	s9 =	sld [smem:$0x3FB7]  }
0x2f: {  	lr =	sadd.s32 s0, s3;
	s0 =	sld [smem:$0x3FAE]  }
0x30: {  	s3 =	sld [smem:$0x3FB1]  }
0x31: {  	[smem:$0x3FBA] =	sst s10  }
0x32: {  	s10 =	sld [smem:$0x3FB8];
	_ =	sdelay $0x3  }
0x33: {  	p0 =	seq.s32 s10, $0x1;
	s10 =	sld [smem:$0x3FBA];
	_ =	sdelay $0x3  }
0x34: {  	[smem:$0x3FBA] =	sst s10  }
0x35: {  	s10 =	sld [smem:$0x3FB9];
	_ =	sdelay $0x3  }
0x36: {  	p1 =	seq.s32 s10, $0x1;
	s10 =	sld [smem:$0x3FBA];
	_ =	sdelay $0x3  }
0x37: {  	[smem:$0x3FBA] =	sst s10  }
0x38: {  	s10 =	sld [smem:$0x3FBB]  }
0x39: {  	_ = 	snop;
	(pc) =	sbr.ind lr, $3  }
0x3a: {  	_ = 	snop  }
0x3b: {  	_ = 	snop  }
0x3c: {  	p2 =	seq.s32 s10, $0x1;
	s10 =	sld [smem:$0x3FBA]  }
0x3d: {  	_ =	shalt  }
0x3e: {  	_ =	shalt  }
0x3f: {  	_ =	shalt  }
0x40: {  	_ =	shalt  }
0x41: {  	_ =	shalt  }
0x42: {  	_ =	shalt  }
0x43: {  	_ =	shalt  }
0x44: {  	_ =	shalt  }
0x45: {  	_ =	shalt  }
0x46: {  	_ =	shalt  }
0x47: {  	_ =	shalt  }
0x48: {  	_ =	shalt  }
0x49: {  	_ =	shalt  }
0x4a: {  	_ =	shalt  }
0x4b: {  	_ =	shalt  }
0x4c: {  	_ =	shalt  }
0x4d: {  	_ =	shalt  }
0x4e: {  	_ =	shalt  }
0x4f: {  	_ =	shalt  }
0x50: {  	_ =	shalt  }
0x51: {  	_ =	shalt  }
0x52: {  	_ =	shalt  }
0x53: {  	_ =	shalt  }
0x54: {  	_ =	shalt  }
0x55: {  	_ =	shalt  }
0x56: {  	_ =	shalt  }
0x57: {  	_ =	shalt  }
0x58: {  	_ =	shalt  }
0x59: {  	_ =	shalt  }
0x5a: {  	_ =	shalt  }
0x5b: {  	_ =	shalt  }
0x5c: {  	_ =	shalt  }
0x5d: {  	_ =	shalt  }
0x5e: {  	_ =	shalt  }
0x5f: {  	_ =	shalt  }
0x60: {  	_ =	shalt  }
0x61: {  	_ =	shalt  }
0x62: {  	_ =	shalt  }
0x63: {  	_ =	shalt  }
0x64: {  	_ =	shalt  }
0x65: {  	_ =	shalt  }
0x66: {  	_ =	shalt  }
0x67: {  	_ =	shalt  }
0x68: {  	_ =	shalt  }
0x69: {  	_ =	shalt  }
0x6a: {  	_ =	shalt  }
0x6b: {  	_ =	shalt  }
0x6c: {  	_ =	shalt  }
0x6d: {  	_ =	shalt  }
0x6e: {  	_ =	shalt  }
0x6f: {  	_ =	shalt  }
0x70: {  	_ =	shalt  }
0x71: {  	_ =	shalt  }
0x72: {  	_ =	shalt  }
0x73: {  	_ =	shalt  }
0x74: {  	_ =	shalt  }
0x75: {  	_ =	shalt  }
0x76: {  	_ =	shalt  }
0x77: {  	_ =	shalt  }
0x78: {  	_ =	shalt  }
0x79: {  	_ =	shalt  }
0x7a: {  	_ =	shalt  }
0x7b: {  	_ =	shalt  }
0x7c: {  	_ =	shalt  }
0x7d: {  	_ =	shalt  }
0x7e: {  	_ =	shalt  }
0x7f: {  	_ =	shalt  }
0x80: {  	_ =	shalt  }
0x81: {  	_ =	shalt  }
0x82: {  	_ =	shalt  }
0x83: {  	_ =	shalt  }
0x84: {  	_ =	shalt  }
0x85: {  	_ =	shalt  }
0x86: {  	_ =	shalt  }
0x87: {  	_ =	shalt  }
.Lfunc_end0:
.L_simem_size_0:
called_computation.1_lowered:
.L_overlay_start_0:
0x88: {  	s2 =	sld [smem:$0x3FD9]  }
0x89: {  	s3 =	sld [smem:$0x3FFE];
	_ =	sdelay $0x1  }
0x8a: {  	s1 =	srdreg.scid  }
0x8b: {  	s0 =	sand.u32 $0x1, s1  }
0x8c: {  	s17 =	sshll.u32 s0, $0xA;
	s2 =	sadd.s32 s3, s2  }
0x8d: {  	s2 =	sadd.s32 s2, s17  }
0x8e: {  	[smem:$0x3FC6] =	sst s2  }
0x8f: {  	_ = 	snop  }
0x90: {  	s2 =	sld [smem:$0x3FD0];
	(tm) =	ssettm $0x1  }
0x91: {  	s18 =	sld [smem:$0x3FFB];
	_ =	sdelay $0x3  }
0x92: {  	_ =	strace s18  }
0x93: {  	s3 =	sld [smem:$0x3FFC];
	_ =	sdelay $0x3  }
0x94: {  	_ =	strace s3  }
0x95: {  	s3 =	sld [smem:$0x3FFD];
	_ =	sdelay $0x3  }
0x96: {  	_ =	strace s3  }
0x97: {  	_ =	strace $0x8FFFFFFF  }
0x98: {  	s19 =	sld [smem:$0x3FDB];
	_ =	sdelay $0x1  }
0x99: {  	s4 =	simm.s32 $_scs_section_size  }
0x9a: {  	s5 =	simm.s32 $_size__tile_overlayer_lowered;
	s6 =	simm.s32 $_tile_overlayer_lowered  }
0x9b: {  	s22 =	simm.s32 $0x1BFF;
	s21 =	sshll.u32 s6, $0x1;
	s3 =	sadd.s32 s4, s19  }
0x9c: {  	s7 =	simm.s32 $0x0;
	s20 =	sshll.u32 s5, $0x1;
	s5 =	sadd.s32 s21, s3  }
0x9d: {  	[timem:s7], [sflag:s22] =	dma.local [hbm:s5], s20  }
0x9e: {  	_ =	swait.ge [sflag:s22], s20  }
0x9f: {  	s4 =	ssub.s32 $0x0, s20;
	[sflag:s22] =	ssyncset.done $0x0  }
0xa0: {  	[sflag:s22] =	ssyncadd.s32 s4;
	_ =	sdelay $0x1  }
0xa1: {  	s23 =	simm.s32 $0x1B8B  }
0xa2: {  	_ =	swait.ge [sflag:s23], $0x1  }
0xa3: {  	[sflag:s23] =	ssyncset.done $0x0  }
0xa4: {  	s25 =	simm.s32 $0x1B8E;
	s24 =	sld [smem:$0x3FFE];
	[sflag:s23] =	ssyncadd.s32 $0xFFFFFFFF  }
0xa5: {  	s26 =	simm.s32 $execute0_lowered;
	[smem:$0x3FD2] =	sst s25  }
0xa6: {  	s5 =	sshll.u32 s26, $0x1;
	_ =	strace $0x80000046;
	[dreg:$0x1] =	wrdreg $0xFFFFFFFF  }
0xa7: {  	s28 =	simm.s32 $_size_execute0_lowered;
	s3 =	sadd.s32 s3, s5;
	[dreg:$0x0] =	wrdreg $0x0  }
0xa8: {  	s5 =	sshll.u32 s28, $0x1;
	[dreg:$0x2] =	wrdreg s3  }
0xa9: {  	[dreg:$0x3] =	wrdreg s5  }
0xaa: {  	[dreg:$0x4] =	wrdreg $0xC0  }
0xab: {  	_ =	task [dreg:s7], $0x5FFFF  }
0xac: {  	[dreg:$0x1] =	wrdreg $0xFFFFFFFF  }
0xad: {  	[dreg:$0x0] =	wrdreg $0x60  }
0xae: {  	[dreg:$0x2] =	wrdreg s24  }
0xaf: {  	[dreg:$0x3] =	wrdreg s2  }
0xb0: {  	[dreg:$0x4] =	wrdreg $0x9  }
0xb1: {  	_ =	task.clear_ibuf [dreg:s7], $0x5FFFF;
	_ =	strace $0x90000046  }
0xb2: {  	s29 =	simm.s32 $0x9;
	_ =	strace $0x80000048  }
0xb3: {  	_ =	swait.ge [sflag:s29], $0x1  }
0xb4: {  	[sflag:s29] =	ssyncadd.s32 $0xFFFFFFFF  }
0xb5: {  	_ =	strace $0x90000048  }
0xb6: {  	_ =	sfence  }
0xb7: {  	s30 =	sld [smem:$0x0];
	_ =	sdelay $0x2  }
0xb8: {  	s31 =	sshll.u32 s1, $0xD;
	s1 =	sshrl.u32 s1, $0x2  }
0xb9: {  	s3 =	sand.u32 $0x4000, s31;
	s1 =	sadd.s32 s1, s30  }
0xba: {  	s0 =	sor.u32 s3, s0;
	s1 =	sshll.u32 s1, $0x11  }
0xbb: {  	s0 =	sor.u32 s1, s0  }
0xbc: {  	s0 =	sadd.s32 $0x8F2B, s0  }
0xbd: {  	[sflag:s0] =	ssyncadd.remote.s32 $0x1  }
0xbe: {  	_ =	sfence.sel $0xFFFF  }
0xbf: {  	[dreg:$0x0] =	wrdreg $0xFFFFFFFF;
	(pc) =	sbr.abs _section_cstart, $3  }
0xc0: {  	[dreg:$0x1] =	wrdreg $0xFFFFFFFF  }
0xc1: {  	_ =	task.clear_ibuf [dreg:s7], $0x2FFFF;
	_ =	strace $0x9FFFFFFF  }
0xc2: {  	(tm) =	ssettm $0x7FFFFFFF  }
0xc3: {  	_ =	shalt  }
tec
execute0_lowered:
.L_overlay_start_1:
0x0: {  	(tag) =	ssettag $0x1  }
0x1: {  	s0 =	srdreg.scid;
	s1 =	rddreg [dreg:$0x0]  }
0x2: {  	s8 =	stileid.u32;
	s9 =	rddreg [dreg:$0x1];
	s16 =	simm.s32 $0x2  }
0x3: {  	s17 =	simm.s32 $0x80;
	s18 =	simm.s32 $0x6400;
	s19 =	simm.s32 $0x8400  }
0x4: {  	s21 =	simm.s32 $0xA400;
	s28 =	simm.s32 $0x10400;
	s7 =	smul.u32 $0x320000, s8  }
0x5: {  	s0 =	sand.u32 $0x1, s0;
	s2 =	sshll.u32 s8, $0x1;
	s8 =	smul.u32 $0xC800, s8  }
0x6: {  	s30 =	simm.s32 $0x12400;
	s3 =	sor.u32 s0, s2;
	s23 =	smul.u32 $0x190000, s0  }
0x7: {  	s2 =	simm.s32 $0x0;
	s6 =	ssub.s32 $0x2, s0;
	s0 =	smul.u32 $0x6400, s0  }
0x8: {  	s20 =	simm.s32 $0x0;
	s4 =	smul.u32 $0x6400, s3;
	[smem:$0x7FF] =	sst s2  }
0x9: {  	s5 =	smul.u32 $0x190000, s3;
	s3 =	sadd.s32 $0xF42E00, s1;
	s10 =	sshrl.u32 s6, $0x1  }
0xa: {  	_ =	strace $0x80000047;
	s13 =	ssub.s32 s6, s10;
	s0 =	sadd.s32 s0, s8  }
0xb: {  	s22 =	sshrl.u32 s4, $0x3;
	s5 =	sshrl.u32 s5, $0x3;
	s0 =	sshll.u32 s0, $0x3  }
0xc: {  	s13 =	smax.u32 s13, $0x1;
	s4 =	sadd.s32 s22, s1;
	s12 =	sadd.s32 s9, s5  }
0xd: {  	s1 =	sadd.s32 s23, s7;
	s0 =	sadd.s32 s0, s9;
	s23 =	simm.s32 $0xC400  }
0xe: {  	s4 =	sadd.s32 $0xA00, s4;
	s5 =	sadd.s32 $0x30000, s12;
	s6 =	sadd.s32 $0x30400, s12  }
0xf: {  	s7 =	sadd.s32 $0x30800, s12;
	s1 =	sshrl.u32 s1, $0x3;
	s8 =	sadd.s32 $0x30C00, s12  }
0x10: {  	s24 =	sadd.s32 $0x1C00, s0;
	s10 =	sadd.s32 $0x31400, s12;
	s25 =	sadd.s32 $0x1800, s0  }
0x11: {  	s11 =	sadd.s32 $0x31800, s12;
	s26 =	sadd.s32 $0x1400, s0;
	[dreg:$0x4] =	wrdreg s24  }
0x12: {  	s29 =	sadd.s32 $0x1000, s0;
	s31 =	sadd.s32 $0xC00, s0;
	[dreg:$0x5] =	wrdreg s25  }
0x13: {  	s14 =	sadd.s32 $0x800, s0;
	s15 =	sadd.s32 $0x400, s0;
	[dreg:$0x6] =	wrdreg s26  }
0x14: {  	s0 =	simm.s32 $0x1;
	s1 =	sadd.s32 s1, s9;
	[dreg:$0x7] =	wrdreg s29  }
0x15: {  	s9 =	sadd.s32 $0x31000, s12;
	s12 =	sadd.s32 $0x31C00, s12;
	[dreg:$0x8] =	wrdreg s31  }
0x16: {  	s25 =	simm.s32 $0xE400;
	[dreg:$0x3] =	wrdreg s1;
	s1 =	simm.s32 $0x14400  }
.LBB2_1:
0x17: {  	[tilespmem:s2], [sflag:$0x2] =	stream.linear.gather [hbm4b:s4+s2], $0x6400, $0x38;
	[tilespmem:$0x16400] =	vst v63  }
0x18: {  	_ =	swait.ge [sflag:s16], $0x6400  }
0x19: {  	[sflag:s16] =	ssyncset.done $0x0  }
0x1a: {  	[sflag:s16] =	ssyncadd.s32 $0xFFFF9C00  }
0x1b: {  	[tilespmem:s18], [sflag:$0x1] =	stream.indirect.gather [hbm4b:s3+s17], $0x40, s2, s17, $0xb8;
	[tilespmem:$0x16400] =	vst v63  }
0x1c: {  	_ = 	snop  }
0x1d: {  	[tilespmem:s19], [sflag:$0x1] =	stream.indirect.gather [hbm4b:s3+s17], $0x40, s17, s17, $0xb8;
	[tilespmem:$0x16400] =	vst v63  }
0x1e: {  	s22 =	simm.s32 $0x100  }
0x1f: {  	[tilespmem:s21], [sflag:$0x1] =	stream.indirect.gather [hbm4b:s3+s17], $0x40, s22, s17, $0xb8;
	[tilespmem:$0x16400] =	vst v63  }
0x20: {  	s24 =	simm.s32 $0x180  }
0x21: {  	[tilespmem:s23], [sflag:$0x1] =	stream.indirect.gather [hbm4b:s3+s17], $0x40, s24, s17, $0xb8;
	[tilespmem:$0x16400] =	vst v63  }
0x22: {  	s26 =	simm.s32 $0x200  }
0x23: {  	[tilespmem:s25], [sflag:$0x1] =	stream.indirect.gather [hbm4b:s3+s17], $0x40, s26, s17, $0xb8;
	[tilespmem:$0x16400] =	vst v63  }
0x24: {  	s29 =	simm.s32 $0x280  }
0x25: {  	[tilespmem:s28], [sflag:$0x1] =	stream.indirect.gather [hbm4b:s3+s17], $0x40, s29, s17, $0xb8;
	[tilespmem:$0x16400] =	vst v63  }
0x26: {  	s31 =	simm.s32 $0x300  }
0x27: {  	[tilespmem:s30], [sflag:$0x1] =	stream.indirect.gather [hbm4b:s3+s17], $0x40, s31, s17, $0xb8;
	[tilespmem:$0x16400] =	vst v63  }
0x28: {  	s24 =	simm.s32 $0x380  }
0x29: {  	[tilespmem:s1], [sflag:$0x1] =	stream.indirect.gather [hbm4b:s3+s17], $0x40, s24, s17, $0xb8;
	[tilespmem:$0x16400] =	vst v63  }
0x2a: {  	_ =	swait.ge [sflag:s0], $0x2000  }
0x2b: {  	s26 =	rddreg [dreg:$0x3];
	[sflag:s0] =	ssyncset.done $0x0  }
0x2c: {  	[sflag:s0] =	ssyncadd.s32 $0xFFFFE000;
	s22 =	sadd.s32 $0x0, s26  }
0x2d: {  	[hbm4b:s22+s2] =	stream.linear.scatter [tilespmem:s18], [sflag:$0x2], $0x2000, $0x38;
	[tilespmem:$0x16400] =	vst v63  }
0x2e: {  	_ =	swait.ge [sflag:s16], $0x2000  }
0x2f: {  	[sflag:s16] =	ssyncset.done $0x0  }
0x30: {  	s29 =	simm.s32 $0x400;
	[sflag:s16] =	ssyncadd.s32 $0xFFFFE000  }
0x31: {  	[tilespmem:s18], [sflag:$0x1] =	stream.indirect.gather [hbm4b:s3+s17], $0x40, s29, s17, $0xb8;
	[tilespmem:$0x16400] =	vst v63  }
0x32: {  	_ =	swait.ge [sflag:s0], $0x2000  }
0x33: {  	[sflag:s0] =	ssyncset.done $0x0  }
0x34: {  	s31 =	sadd.s32 $0x0, s15;
	[sflag:s0] =	ssyncadd.s32 $0xFFFFE000  }
0x35: {  	[hbm4b:s31+s2] =	stream.linear.scatter [tilespmem:s19], [sflag:$0x2], $0x2000, $0x38;
	[tilespmem:$0x16400] =	vst v63  }
0x36: {  	_ =	swait.ge [sflag:s16], $0x2000  }
0x37: {  	[sflag:s16] =	ssyncset.done $0x0  }
0x38: {  	s24 =	simm.s32 $0x480;
	[sflag:s16] =	ssyncadd.s32 $0xFFFFE000  }
0x39: {  	[tilespmem:s19], [sflag:$0x1] =	stream.indirect.gather [hbm4b:s3+s17], $0x40, s24, s17, $0xb8;
	[tilespmem:$0x16400] =	vst v63  }
0x3a: {  	_ =	swait.ge [sflag:s0], $0x2000  }
0x3b: {  	[sflag:s0] =	ssyncset.done $0x0  }
0x3c: {  	s26 =	sadd.s32 $0x0, s14;
	[sflag:s0] =	ssyncadd.s32 $0xFFFFE000  }
0x3d: {  	[hbm4b:s26+s2] =	stream.linear.scatter [tilespmem:s21], [sflag:$0x2], $0x2000, $0x38;
	[tilespmem:$0x16400] =	vst v63  }
0x3e: {  	_ =	swait.ge [sflag:s16], $0x2000  }
0x3f: {  	[sflag:s16] =	ssyncset.done $0x0  }
0x40: {  	s29 =	simm.s32 $0x500;
	[sflag:s16] =	ssyncadd.s32 $0xFFFFE000  }
0x41: {  	[tilespmem:s21], [sflag:$0x1] =	stream.indirect.gather [hbm4b:s3+s17], $0x40, s29, s17, $0xb8;
	[tilespmem:$0x16400] =	vst v63  }
0x42: {  	_ =	swait.ge [sflag:s0], $0x2000  }
0x43: {  	s31 =	rddreg [dreg:$0x8];
	[sflag:s0] =	ssyncset.done $0x0  }
0x44: {  	[sflag:s0] =	ssyncadd.s32 $0xFFFFE000;
	s22 =	sadd.s32 $0x0, s31  }
0x45: {  	[hbm4b:s22+s2] =	stream.linear.scatter [tilespmem:s23], [sflag:$0x2], $0x2000, $0x38;
	[tilespmem:$0x16400] =	vst v63  }
0x46: {  	_ =	swait.ge [sflag:s16], $0x2000  }
0x47: {  	[sflag:s16] =	ssyncset.done $0x0  }
0x48: {  	s24 =	simm.s32 $0x580;
	[sflag:s16] =	ssyncadd.s32 $0xFFFFE000  }
0x49: {  	[tilespmem:s23], [sflag:$0x1] =	stream.indirect.gather [hbm4b:s3+s17], $0x40, s24, s17, $0xb8;
	[tilespmem:$0x16400] =	vst v63  }
0x4a: {  	_ =	swait.ge [sflag:s0], $0x2000  }
0x4b: {  	s26 =	rddreg [dreg:$0x7];
	[sflag:s0] =	ssyncset.done $0x0  }
0x4c: {  	[sflag:s0] =	ssyncadd.s32 $0xFFFFE000;
	s22 =	sadd.s32 $0x0, s26  }
0x4d: {  	[hbm4b:s22+s2] =	stream.linear.scatter [tilespmem:s25], [sflag:$0x2], $0x2000, $0x38;
	[tilespmem:$0x16400] =	vst v63  }
0x4e: {  	_ =	swait.ge [sflag:s16], $0x2000  }
0x4f: {  	[sflag:s16] =	ssyncset.done $0x0  }
0x50: {  	s29 =	simm.s32 $0x600;
	[sflag:s16] =	ssyncadd.s32 $0xFFFFE000  }
0x51: {  	[tilespmem:s25], [sflag:$0x1] =	stream.indirect.gather [hbm4b:s3+s17], $0x40, s29, s17, $0xb8;
	[tilespmem:$0x16400] =	vst v63  }
0x52: {  	_ =	swait.ge [sflag:s0], $0x2000  }
0x53: {  	s31 =	rddreg [dreg:$0x6];
	[sflag:s0] =	ssyncset.done $0x0  }
0x54: {  	[sflag:s0] =	ssyncadd.s32 $0xFFFFE000;
	s22 =	sadd.s32 $0x0, s31  }
0x55: {  	[hbm4b:s22+s2] =	stream.linear.scatter [tilespmem:s28], [sflag:$0x2], $0x2000, $0x38;
	[tilespmem:$0x16400] =	vst v63  }
0x56: {  	_ =	swait.ge [sflag:s16], $0x2000  }
0x57: {  	[sflag:s16] =	ssyncset.done $0x0  }
0x58: {  	s24 =	simm.s32 $0x680;
	[sflag:s16] =	ssyncadd.s32 $0xFFFFE000  }
0x59: {  	[tilespmem:s28], [sflag:$0x1] =	stream.indirect.gather [hbm4b:s3+s17], $0x40, s24, s17, $0xb8;
	[tilespmem:$0x16400] =	vst v63  }
0x5a: {  	_ =	swait.ge [sflag:s0], $0x2000  }
0x5b: {  	s26 =	rddreg [dreg:$0x5];
	[sflag:s0] =	ssyncset.done $0x0  }
0x5c: {  	[sflag:s0] =	ssyncadd.s32 $0xFFFFE000;
	s22 =	sadd.s32 $0x0, s26  }
0x5d: {  	[hbm4b:s22+s2] =	stream.linear.scatter [tilespmem:s30], [sflag:$0x2], $0x2000, $0x38;
	[tilespmem:$0x16400] =	vst v63  }
0x5e: {  	_ =	swait.ge [sflag:s16], $0x2000  }
0x5f: {  	[sflag:s16] =	ssyncset.done $0x0  }
0x60: {  	s29 =	simm.s32 $0x700;
	[sflag:s16] =	ssyncadd.s32 $0xFFFFE000  }
0x61: {  	[tilespmem:s30], [sflag:$0x1] =	stream.indirect.gather [hbm4b:s3+s17], $0x40, s29, s17, $0xb8;
	[tilespmem:$0x16400] =	vst v63  }
0x62: {  	_ =	swait.ge [sflag:s0], $0x2000  }
0x63: {  	s31 =	rddreg [dreg:$0x4];
	[sflag:s0] =	ssyncset.done $0x0  }
0x64: {  	[sflag:s0] =	ssyncadd.s32 $0xFFFFE000;
	s22 =	sadd.s32 $0x0, s31  }
0x65: {  	[hbm4b:s22+s2] =	stream.linear.scatter [tilespmem:s1], [sflag:$0x2], $0x2000, $0x38;
	[tilespmem:$0x16400] =	vst v63  }
0x66: {  	_ =	swait.ge [sflag:s16], $0x2000  }
0x67: {  	s24 =	simm.s32 $0x2000;
	[sflag:s16] =	ssyncset.done $0x0  }
0x68: {  	s26 =	simm.s32 $0xB80;
	s22 =	simm.s32 $0x780;
	[sflag:s16] =	ssyncadd.s32 $0xFFFFE000  }
.LBB2_2:
0x69: {  	[tilespmem:s1], [sflag:$0x1] =	stream.indirect.gather [hbm4b:s3+s17], $0x40, s22, s17, $0xb8;
	[tilespmem:$0x16400] =	vst v63  }
0x6a: {  	_ =	swait.ge [sflag:s0], $0x2000  }
0x6b: {  	s29 =	smov.u32 s24;
	s31 =	rddreg [dreg:$0x3];
	[sflag:s0] =	ssyncset.done $0x0  }
0x6c: {  	[sflag:s0] =	ssyncadd.s32 $0xFFFFE000;
	s31 =	sadd.s32 s29, s31  }
0x6d: {  	[hbm4b:s31+s2] =	stream.linear.scatter [tilespmem:s18], [sflag:$0x2], $0x2000, $0x38;
	[tilespmem:$0x16400] =	vst v63  }
0x6e: {  	_ =	swait.ge [sflag:s16], $0x2000  }
0x6f: {  	[sflag:s16] =	ssyncset.done $0x0  }
0x70: {  	s31 =	sadd.s32 $0xFFFFFC80, s26;
	[sflag:s16] =	ssyncadd.s32 $0xFFFFE000  }
0x71: {  	[tilespmem:s18], [sflag:$0x1] =	stream.indirect.gather [hbm4b:s3+s17], $0x40, s31, s17, $0xb8;
	[tilespmem:$0x16400] =	vst v63  }
0x72: {  	_ =	swait.ge [sflag:s0], $0x2000  }
0x73: {  	[sflag:s0] =	ssyncset.done $0x0  }
0x74: {  	s31 =	sadd.s32 s29, s15;
	[sflag:s0] =	ssyncadd.s32 $0xFFFFE000  }
0x75: {  	[hbm4b:s31+s2] =	stream.linear.scatter [tilespmem:s19], [sflag:$0x2], $0x2000, $0x38;
	[tilespmem:$0x16400] =	vst v63  }
0x76: {  	_ =	swait.ge [sflag:s16], $0x2000  }
0x77: {  	[sflag:s16] =	ssyncset.done $0x0  }
0x78: {  	s31 =	sadd.s32 $0xFFFFFD00, s26;
	[sflag:s16] =	ssyncadd.s32 $0xFFFFE000  }
0x79: {  	[tilespmem:s19], [sflag:$0x1] =	stream.indirect.gather [hbm4b:s3+s17], $0x40, s31, s17, $0xb8;
	[tilespmem:$0x16400] =	vst v63  }
0x7a: {  	_ =	swait.ge [sflag:s0], $0x2000  }
0x7b: {  	[sflag:s0] =	ssyncset.done $0x0  }
0x7c: {  	s31 =	sadd.s32 s29, s14;
	[sflag:s0] =	ssyncadd.s32 $0xFFFFE000  }
0x7d: {  	[hbm4b:s31+s2] =	stream.linear.scatter [tilespmem:s21], [sflag:$0x2], $0x2000, $0x38;
	[tilespmem:$0x16400] =	vst v63  }
0x7e: {  	_ =	swait.ge [sflag:s16], $0x2000  }
0x7f: {  	[sflag:s16] =	ssyncset.done $0x0  }
0x80: {  	s31 =	sadd.s32 $0xFFFFFD80, s26;
	[sflag:s16] =	ssyncadd.s32 $0xFFFFE000  }
0x81: {  	[tilespmem:s21], [sflag:$0x1] =	stream.indirect.gather [hbm4b:s3+s17], $0x40, s31, s17, $0xb8;
	[tilespmem:$0x16400] =	vst v63  }
0x82: {  	_ =	swait.ge [sflag:s0], $0x2000  }
0x83: {  	s31 =	rddreg [dreg:$0x8];
	[sflag:s0] =	ssyncset.done $0x0  }
0x84: {  	[sflag:s0] =	ssyncadd.s32 $0xFFFFE000;
	s31 =	sadd.s32 s29, s31  }
0x85: {  	[hbm4b:s31+s2] =	stream.linear.scatter [tilespmem:s23], [sflag:$0x2], $0x2000, $0x38;
	[tilespmem:$0x16400] =	vst v63  }
0x86: {  	_ =	swait.ge [sflag:s16], $0x2000  }
0x87: {  	[sflag:s16] =	ssyncset.done $0x0  }
0x88: {  	s31 =	sadd.s32 $0xFFFFFE00, s26;
	[sflag:s16] =	ssyncadd.s32 $0xFFFFE000  }
0x89: {  	[tilespmem:s23], [sflag:$0x1] =	stream.indirect.gather [hbm4b:s3+s17], $0x40, s31, s17, $0xb8;
	[tilespmem:$0x16400] =	vst v63  }
0x8a: {  	_ =	swait.ge [sflag:s0], $0x2000  }
0x8b: {  	s31 =	rddreg [dreg:$0x7];
	[sflag:s0] =	ssyncset.done $0x0  }
0x8c: {  	[sflag:s0] =	ssyncadd.s32 $0xFFFFE000;
	s31 =	sadd.s32 s29, s31  }
0x8d: {  	[hbm4b:s31+s2] =	stream.linear.scatter [tilespmem:s25], [sflag:$0x2], $0x2000, $0x38;
	[tilespmem:$0x16400] =	vst v63  }
0x8e: {  	_ =	swait.ge [sflag:s16], $0x2000  }
0x8f: {  	[sflag:s16] =	ssyncset.done $0x0  }
0x90: {  	s31 =	sadd.s32 $0xFFFFFE80, s26;
	[sflag:s16] =	ssyncadd.s32 $0xFFFFE000  }
0x91: {  	[tilespmem:s25], [sflag:$0x1] =	stream.indirect.gather [hbm4b:s3+s17], $0x40, s31, s17, $0xb8;
	[tilespmem:$0x16400] =	vst v63  }
0x92: {  	_ =	swait.ge [sflag:s0], $0x2000  }
0x93: {  	s31 =	rddreg [dreg:$0x6];
	[sflag:s0] =	ssyncset.done $0x0  }
0x94: {  	[sflag:s0] =	ssyncadd.s32 $0xFFFFE000;
	s31 =	sadd.s32 s29, s31  }
0x95: {  	[hbm4b:s31+s2] =	stream.linear.scatter [tilespmem:s28], [sflag:$0x2], $0x2000, $0x38;
	[tilespmem:$0x16400] =	vst v63  }
0x96: {  	_ =	swait.ge [sflag:s16], $0x2000  }
0x97: {  	[sflag:s16] =	ssyncset.done $0x0  }
0x98: {  	s31 =	sadd.s32 $0xFFFFFF00, s26;
	[sflag:s16] =	ssyncadd.s32 $0xFFFFE000  }
0x99: {  	[tilespmem:s28], [sflag:$0x1] =	stream.indirect.gather [hbm4b:s3+s17], $0x40, s31, s17, $0xb8;
	[tilespmem:$0x16400] =	vst v63  }
0x9a: {  	_ =	swait.ge [sflag:s0], $0x2000  }
0x9b: {  	s31 =	rddreg [dreg:$0x5];
	[sflag:s0] =	ssyncset.done $0x0  }
0x9c: {  	[sflag:s0] =	ssyncadd.s32 $0xFFFFE000;
	s31 =	sadd.s32 s29, s31  }
0x9d: {  	[hbm4b:s31+s2] =	stream.linear.scatter [tilespmem:s30], [sflag:$0x2], $0x2000, $0x38;
	[tilespmem:$0x16400] =	vst v63  }
0x9e: {  	_ =	swait.ge [sflag:s16], $0x2000  }
0x9f: {  	[sflag:s16] =	ssyncset.done $0x0  }
0xa0: {  	s31 =	sadd.s32 $0xFFFFFF80, s26;
	[sflag:s16] =	ssyncadd.s32 $0xFFFFE000  }
0xa1: {  	[tilespmem:s30], [sflag:$0x1] =	stream.indirect.gather [hbm4b:s3+s17], $0x40, s31, s17, $0xb8;
	[tilespmem:$0x16400] =	vst v63  }
0xa2: {  	_ =	swait.ge [sflag:s0], $0x2000  }
0xa3: {  	p0 =	sne.s32 s24, $0x2E000;
	s31 =	rddreg [dreg:$0x4];
	[sflag:s0] =	ssyncset.done $0x0  }
.Ltmp0:
0xa4: {  	[sflag:s0] =	ssyncadd.s32 $0xFFFFE000;
	s29 =	sadd.s32 s29, s31;
	(pc) =	sbr.rel @p0 .LBB2_2-.Ltmp0, $4  }
0xa5: {  	[hbm4b:s29+s2] =	stream.linear.scatter [tilespmem:s1], [sflag:$0x2], $0x2000, $0x38;
	[tilespmem:$0x16400] =	vst v63  }
0xa6: {  	_ =	swait.ge [sflag:s16], $0x2000  }
0xa7: {  	s22 =	smov.u32 s26;
	[sflag:s16] =	ssyncset.done $0x0  }
0xa8: {  	s24 =	sadd.s32 $0x2000, s24;
	s26 =	sadd.s32 $0x400, s26;
	[sflag:s16] =	ssyncadd.s32 $0xFFFFE000  }
0xa9: {  	[tilespmem:s1], [sflag:$0x1] =	stream.indirect.gather [hbm4b:s3+s17], $0x40, s22, s17, $0xb8;
	[tilespmem:$0x16400] =	vst v63  }
0xaa: {  	_ =	swait.ge [sflag:s0], $0x2000  }
0xab: {  	[sflag:s0] =	ssyncset.done $0x0  }
0xac: {  	[sflag:s0] =	ssyncadd.s32 $0xFFFFE000  }
0xad: {  	[hbm4b:s5+s2] =	stream.linear.scatter [tilespmem:s18], [sflag:$0x2], $0x2000, $0x38;
	[tilespmem:$0x16400] =	vst v63  }
0xae: {  	_ =	swait.ge [sflag:s16], $0x2000  }
0xaf: {  	[sflag:s16] =	ssyncset.done $0x0  }
0xb0: {  	[sflag:s16] =	ssyncadd.s32 $0xFFFFE000  }
0xb1: {  	_ =	swait.ge [sflag:s0], $0x2000  }
0xb2: {  	[sflag:s0] =	ssyncset.done $0x0  }
0xb3: {  	[sflag:s0] =	ssyncadd.s32 $0xFFFFE000  }
0xb4: {  	[hbm4b:s6+s2] =	stream.linear.scatter [tilespmem:s19], [sflag:$0x2], $0x2000, $0x38;
	[tilespmem:$0x16400] =	vst v63  }
0xb5: {  	_ =	swait.ge [sflag:s16], $0x2000  }
0xb6: {  	[sflag:s16] =	ssyncset.done $0x0  }
0xb7: {  	[sflag:s16] =	ssyncadd.s32 $0xFFFFE000  }
0xb8: {  	_ =	swait.ge [sflag:s0], $0x2000  }
0xb9: {  	[sflag:s0] =	ssyncset.done $0x0  }
0xba: {  	[sflag:s0] =	ssyncadd.s32 $0xFFFFE000  }
0xbb: {  	[hbm4b:s7+s2] =	stream.linear.scatter [tilespmem:s21], [sflag:$0x2], $0x2000, $0x38;
	[tilespmem:$0x16400] =	vst v63  }
0xbc: {  	_ =	swait.ge [sflag:s16], $0x2000  }
0xbd: {  	[sflag:s16] =	ssyncset.done $0x0  }
0xbe: {  	[sflag:s16] =	ssyncadd.s32 $0xFFFFE000  }
0xbf: {  	_ =	swait.ge [sflag:s0], $0x2000  }
0xc0: {  	[sflag:s0] =	ssyncset.done $0x0  }
0xc1: {  	[sflag:s0] =	ssyncadd.s32 $0xFFFFE000  }
0xc2: {  	[hbm4b:s8+s2] =	stream.linear.scatter [tilespmem:s23], [sflag:$0x2], $0x2000, $0x38;
	[tilespmem:$0x16400] =	vst v63  }
0xc3: {  	_ =	swait.ge [sflag:s16], $0x2000  }
0xc4: {  	[sflag:s16] =	ssyncset.done $0x0  }
0xc5: {  	[sflag:s16] =	ssyncadd.s32 $0xFFFFE000  }
0xc6: {  	_ =	swait.ge [sflag:s0], $0x2000  }
0xc7: {  	[sflag:s0] =	ssyncset.done $0x0  }
0xc8: {  	[sflag:s0] =	ssyncadd.s32 $0xFFFFE000  }
0xc9: {  	[hbm4b:s9+s2] =	stream.linear.scatter [tilespmem:s25], [sflag:$0x2], $0x2000, $0x38;
	[tilespmem:$0x16400] =	vst v63  }
0xca: {  	_ =	swait.ge [sflag:s16], $0x2000  }
0xcb: {  	[sflag:s16] =	ssyncset.done $0x0  }
0xcc: {  	[sflag:s16] =	ssyncadd.s32 $0xFFFFE000  }
0xcd: {  	_ =	swait.ge [sflag:s0], $0x2000  }
0xce: {  	[sflag:s0] =	ssyncset.done $0x0  }
0xcf: {  	[sflag:s0] =	ssyncadd.s32 $0xFFFFE000  }
0xd0: {  	[hbm4b:s10+s2] =	stream.linear.scatter [tilespmem:s28], [sflag:$0x2], $0x2000, $0x38;
	[tilespmem:$0x16400] =	vst v63  }
0xd1: {  	_ =	swait.ge [sflag:s16], $0x2000  }
0xd2: {  	[sflag:s16] =	ssyncset.done $0x0  }
0xd3: {  	[sflag:s16] =	ssyncadd.s32 $0xFFFFE000  }
0xd4: {  	_ =	swait.ge [sflag:s0], $0x2000  }
0xd5: {  	[sflag:s0] =	ssyncset.done $0x0  }
0xd6: {  	[sflag:s0] =	ssyncadd.s32 $0xFFFFE000  }
0xd7: {  	[hbm4b:s11+s2] =	stream.linear.scatter [tilespmem:s30], [sflag:$0x2], $0x2000, $0x38;
	[tilespmem:$0x16400] =	vst v63  }
0xd8: {  	_ =	swait.ge [sflag:s16], $0x2000  }
0xd9: {  	[sflag:s16] =	ssyncset.done $0x0  }
0xda: {  	[sflag:s16] =	ssyncadd.s32 $0xFFFFE000  }
0xdb: {  	s20 =	sadd.s32 $0x1, s20;
	_ =	swait.ge [sflag:s0], $0x2000  }
0xdc: {  	p0 =	sne.s32 s20, s13;
	[sflag:s0] =	ssyncset.done $0x0  }
.Ltmp1:
0xdd: {  	[sflag:s0] =	ssyncadd.s32 $0xFFFFE000;
	(pc) =	sbr.rel @p0 .LBB2_1-.Ltmp1, $4  }
0xde: {  	[hbm4b:s12+s2] =	stream.linear.scatter [tilespmem:s1], [sflag:$0x2], $0x2000, $0x38;
	[tilespmem:$0x16400] =	vst v63  }
0xdf: {  	_ =	swait.ge [sflag:s16], $0x2000  }
0xe0: {  	[sflag:s16] =	ssyncset.done $0x0  }
0xe1: {  	[sflag:s16] =	ssyncadd.s32 $0xFFFFE000  }
0xe2: {  	_ =	sfence.sel $0x180000  }
0xe3: {  	[bflag:$0x0] =	sbarrier.arrive $0xFFFF  }
0xe4: {  	_ =	strace $0x90000047  }
0xe5: {  	s0 =	stileid.u32;
	[bflag:$0x2] =	sbarrier.arrive $0xFFFF  }
0xe6: {  	p0 =	sne.s32 s0, $0x0;
	s0 =	rddreg [dreg:$0x2]  }
0xe7: {  	s0 =	sadd.s32 @!p0 $0x100000, s0  }
0xe8: {  	[sflag:s0] =	ssyncadd.tile.s32 @!p0 $0x1;
	_ =	shalt  }
.Lfunc_end2:
_tile_overlayer_lowered:
.L_overlay_start_2:
0xe9: {  	(tag) =	ssettag $0x2  }
0xea: {  	s0 =	rddreg [dreg:$0x0];
	s2 =	stileid.u32  }
0xeb: {  	s1 =	rddreg [dreg:$0x1];
	p0 =	sne.s32 s2, $0x0  }
0xec: {  	s3 =	rddreg [dreg:$0x2];
	[bflag:$0x3] =	sbarrier.arrive $0xFFFF;
	s2 =	simm.s32 @!p0 $0x1C02  }
0xed: {  	[timem:s3], [sflag:s2] =	dma.local @!p0 [hbm:s0], s1  }
0xee: {  	s0 =	simm.s32 @!p0 $0x2  }
0xef: {  	_ =	swait.ge @!p0 [sflag:s0], s1  }
0xf0: {  	s1 =	ssub.s32 @!p0 $0x0, s1;
	[sflag:s0] =	ssyncset.done @!p0 $0x0  }
0xf1: {  	[sflag:s0] =	ssyncadd.s32 @!p0 s1  }
0xf2: {  	[bflag:$0x3] =	sbarrier.arrive $0xFFFF  }
0xf3: {  	_ =	shalt  }

// kernel: sparse-core-data-format-call.cloned.1.call-start
scs
called_computation_lowered:
.L_overlay_start_0:
0x0: {  	s2 =	sld [smem:$0x3FD9]  }
0x1: {  	s3 =	sld [smem:$0x3FFE];
	_ =	sdelay $0x1  }
0x2: {  	s1 =	srdreg.scid  }
0x3: {  	s0 =	sand.u32 $0x1, s1  }
0x4: {  	s18 =	sshll.u32 s0, $0xA;
	s2 =	sadd.s32 s3, s2  }
0x5: {  	s2 =	sadd.s32 s2, s18  }
0x6: {  	[smem:$0x3FC6] =	sst s2  }
0x7: {  	_ = 	snop  }
0x8: {  	s2 =	sld [smem:$0x3FD0];
	(tm) =	ssettm $0x1  }
0x9: {  	s19 =	sld [smem:$0x3FFB];
	_ =	sdelay $0x3  }
0xa: {  	_ =	strace s19  }
0xb: {  	s3 =	sld [smem:$0x3FFC];
	_ =	sdelay $0x3  }
0xc: {  	_ =	strace s3  }
0xd: {  	s3 =	sld [smem:$0x3FFD];
	_ =	sdelay $0x3  }
0xe: {  	_ =	strace s3  }
0xf: {  	_ =	strace $0x8FFFFFFF  }
0x10: {  	s20 =	sld [smem:$0x3FDB];
	_ =	sdelay $0x1  }
0x11: {  	s4 =	simm.s32 $_scs_section_size  }
0x12: {  	s5 =	simm.s32 $_size__tile_overlayer_lowered;
	s6 =	simm.s32 $_tile_overlayer_lowered  }
0x13: {  	s23 =	simm.s32 $0x1BFF;
	s22 =	sshll.u32 s6, $0x1;
	s3 =	sadd.s32 s4, s20  }
0x14: {  	s7 =	simm.s32 $0x0;
	s21 =	sshll.u32 s5, $0x1;
	s5 =	sadd.s32 s22, s3  }
0x15: {  	[timem:s7], [sflag:s23] =	dma.local [hbm:s5], s21  }
0x16: {  	_ =	swait.ge [sflag:s23], s21  }
0x17: {  	s4 =	ssub.s32 $0x0, s21;
	[sflag:s23] =	ssyncset.done $0x0  }
0x18: {  	[sflag:s23] =	ssyncadd.s32 s4;
	_ =	sdelay $0x1  }
0x19: {  	s24 =	simm.s32 $0x1B8B  }
0x1a: {  	_ =	swait.ge [sflag:s24], $0x1  }
0x1b: {  	[sflag:s24] =	ssyncset.done $0x0  }
0x1c: {  	s26 =	simm.s32 $0x1B8E;
	s25 =	sld [smem:$0x3FFE];
	[sflag:s24] =	ssyncadd.s32 $0xFFFFFFFF  }
0x1d: {  	s27 =	simm.s32 $execute0_lowered;
	[smem:$0x3FD2] =	sst s26  }
0x1e: {  	s5 =	sshll.u32 s27, $0x1;
	_ =	strace $0x80000049;
	[dreg:$0x1] =	wrdreg $0xFFFFFFFF  }
0x1f: {  	s28 =	simm.s32 $_size_execute0_lowered;
	s3 =	sadd.s32 s3, s5;
	[dreg:$0x0] =	wrdreg $0x0  }
0x20: {  	s5 =	sshll.u32 s28, $0x1;
	[dreg:$0x2] =	wrdreg s3  }
0x21: {  	[dreg:$0x3] =	wrdreg s5  }
0x22: {  	[dreg:$0x4] =	wrdreg $0xC0  }
0x23: {  	_ =	task [dreg:s7], $0x5FFFF  }
0x24: {  	[dreg:$0x1] =	wrdreg $0xFFFFFFFF  }
0x25: {  	[dreg:$0x0] =	wrdreg $0x60  }
0x26: {  	[dreg:$0x2] =	wrdreg s25  }
0x27: {  	[dreg:$0x3] =	wrdreg s2  }
0x28: {  	[dreg:$0x4] =	wrdreg $0x9  }
0x29: {  	_ =	task.clear_ibuf [dreg:s7], $0x5FFFF;
	_ =	strace $0x90000049  }
0x2a: {  	s29 =	simm.s32 $0x9;
	_ =	strace $0x8000004B  }
0x2b: {  	_ =	swait.ge [sflag:s29], $0x1  }
0x2c: {  	[sflag:s29] =	ssyncadd.s32 $0xFFFFFFFF  }
0x2d: {  	_ =	strace $0x9000004B  }
0x2e: {  	_ =	sfence  }
0x2f: {  	s30 =	sld [smem:$0x0];
	_ =	sdelay $0x2  }
0x30: {  	s31 =	sshll.u32 s1, $0xD;
	s1 =	sshrl.u32 s1, $0x2  }
0x31: {  	s3 =	sand.u32 $0x4000, s31;
	s1 =	sadd.s32 s1, s30  }
0x32: {  	s0 =	sor.u32 s3, s0;
	s1 =	sshll.u32 s1, $0x11  }
0x33: {  	s0 =	sor.u32 s1, s0  }
0x34: {  	s0 =	sadd.s32 $0x8F2B, s0  }
0x35: {  	[sflag:s0] =	ssyncadd.remote.s32 $0x1  }
0x36: {  	_ =	sfence.sel $0xFFFF  }
0x37: {  	[dreg:$0x0] =	wrdreg $0xFFFFFFFF;
	(pc) =	sbr.abs _section_cstart, $3  }
0x38: {  	[dreg:$0x1] =	wrdreg $0xFFFFFFFF  }
0x39: {  	_ =	task.clear_ibuf [dreg:s7], $0x2FFFF;
	_ =	strace $0x9FFFFFFF  }
0x3a: {  	(tm) =	ssettm $0x7FFFFFFF  }
0x3b: {  	_ =	shalt  }
tec
execute0_lowered:
.L_overlay_start_1:
0x0: {  	(tag) =	ssettag $0x1  }
0x1: {  	s0 =	srdreg.scid  }
0x2: {  	s1 =	sshll.u32 s0, $0x4  }
0x3: {  	s0 =	stileid.u32;
	s1 =	sand.u32 $0x10, s1  }
0x4: {  	s1 =	sor.u32 s0, s1  }
0x5: {  	s6 =	rddreg [dreg:$0x0];
	s4 =	simm.s32 $0x1;
	s2 =	sshll.u32 s1, $0x7  }
0x6: {  	s7 =	simm.s32 $0x2;
	s12 =	simm.s32 $0x0;
	s1 =	ssub.s32 $0x4000, s2  }
0x7: {  	s8 =	simm.s32 $0x20000;
	s13 =	simm.s32 $0x0;
	s3 =	sand.u32 $0xF80, s1  }
0x8: {  	s9 =	simm.s32 $0x0;
	s5 =	sshrl.u32 s1, $0xC;
	p0 =	sne.s32 s3, $0x0  }
.Ltmp0:
0x9: {  	s1 =	rddreg [dreg:$0x2];
	s4 =	simm.s32 @!p0 $0x0;
	(pc) =	sbr.rel .LBB1_1-.Ltmp0, $4  }
0xa: {  	s11 =	simm.s32 $0x0;
	s3 =	rddreg [dreg:$0x1];
	s5 =	sadd.s32 s4, s5  }
0xb: {  	_ =	strace $0x8000004A;
	s4 =	simm.s32 $0x1;
	s5 =	smul.u32 $0x32, s5  }
0xc: {  	s6 =	sadd.s32 $0xA00, s6;
	s10 =	smov.u32 s2;
	[sflag:s4] =	ssyncpa.u1 $0x0  }
0xd: {  	p0 =	por $0x0, $0x0;
	[sflag:s7] =	ssyncpa.u1 $0x0;
	s7 =	sor.u32 $0x1, s5  }
.LBB1_4:
0xe: {  	s16 =	sshll.u32 s13, $0x3;
	s17 =	sand.u32 $0x78, s13  }
0xf: {  	s30 =	sand.u32 $0x1F800, s13;
	s12 =	sshll.u32 s12, $0x11;
	s16 =	sand.u32 $0x3C00, s16  }
0x10: {  	[tilespmem:s15+$0x810 ss:$0x81] =	vst.msk $0xffff, v2;
	s31 =	sand.u32 $0x7, s13;
	s16 =	sor.u32 s17, s16;
	s17 =	sadd.s32 s3, s30  }
0x11: {  	[tilespmem:s15+$0x1020 ss:$0x81] =	vst.msk $0xffff, v0;
	s13 =	sshll.u32 s31, $0x12;
	s12 =	sadd.s32 s12, s17;
	s16 =	sshrl.u32 s16, $0x3  }
0x12: {  	[tilespmem:s15+$0x0 ss:$0x81] =	vst.msk $0xffff, v1;
	s13 =	sor.u32 $0x400, s13;
	s12 =	sadd.s32 s16, s12  }
0x13: {  	[hbm4b:s12+s13] =	stream.strided.scatter [tilespmem:s14], [sflag:$0x2], $0x2000, s8, s13, $0x20;
	[tilespmem:$0x8080] =	vst v63  }
.LBB1_5:
0x14: {  	s14 =	sadd.s32 $0x1, s9  }
0x15: {  	s12 =	sadd.s32 $0x1000, s10;
	s16 =	smov.u32 s10;
	p2 =	sgt.s32 s14, $0x31  }
0x16: {  	s16 =	smov.u32 @p2 s12  }
0x17: {  	s14 =	simm.s32 @p2 $0x0;
	p2 =	sgt.s32 s16, $0x3FFF  }
0x18: {  	s16 =	smov.u32 @p2 s2;
	p2 =	sne.s32 s11, s7  }
.Ltmp1:
0x19: {  	p1 =	slt.u32 s11, $0x2;
	(pc) =	sbr.rel @!p2 .LBB1_6-.Ltmp1, $4  }
0x1a: {  	s15 =	simm.s32 @!p1 $0x2  }
0x1b: {  	s13 =	smov.u32 s10;
	p0 =	por !p0, !p0;
	_ =	swait.ge @!p1 [sflag:s15], $0x2000  }
0x1c: {  	s12 =	smov.u32 s9;
	[sflag:s15] =	ssyncset.done @!p1 $0x0;
	s9 =	smov.u32 s14  }
0x1d: {  	s11 =	sadd.s32 $0x1, s11;
	[sflag:s15] =	ssyncadd.s32 @!p1 $0xFFFFE000;
	s10 =	smov.u32 s16  }
.LBB1_1:
0x1e: {  	p1 =	sge.u32 s11, s5  }
0x1f: {  	s14 =	sand.u32 @!p1 $0x1FFFFFF, s9  }
0x20: {  	s15 =	smulhi.u32 @!p1 $0x4924925, s14;
	_ =	sdelay $0x1  }
0x21: {  	s15 =	smul.u32 @!p1 $0x38, s15  }
0x22: {  	s16 =	sxor.u32 @!p1 $0xFFFFFFFF, s11;
	s17 =	smul.u32 @!p1 $0x380, s10  }
0x23: {  	s31 =	sadd.s32 $0xFFFFFFFF, s11;
	s16 =	sshll.u32 @!p1 s16, $0xD;
	s14 =	ssub.s32 @!p1 s14, s15  }
0x24: {  	s15 =	sand.u32 @!p1 $0x2000, s16;
	s16 =	sadd.s32 @!p1 s6, s17;
	s14 =	sshll.u32 @!p1 s14, $0x4  }
0x25: {  	s17 =	simm.s32 @!p1 $0x1C00;
	s14 =	sadd.s32 @!p1 s14, s16;
	s16 =	simm.s32 @!p1 $0x40  }
0x26: {  	[tilespmem:s15], [sflag:$0x1] =	stream.strided.gather @!p1 [hbm4b:s14+s16], $0x2000, s17, s16, $0x38;
	[tilespmem:$0x8080] =	vst v63  }
0x27: {  	p1 =	sge.u32 s31, s5  }
.Ltmp2:
0x28: {  	_ = 	snop;
	(pc) =	sbr.rel @p1 .LBB1_5-.Ltmp2, $1  }
0x29: {  	_ =	sdelay $0x3  }
0x2a: {  	s14 =	simm.s32 $0x1  }
0x2b: {  	_ =	swait.ge [sflag:s4], $0x2000;
	s14 =	simm.s32 @!p0 $0x0  }
0x2c: {  	[sflag:s4] =	ssyncset.done $0x0;
	s15 =	sshll.u32 s14, $0xD  }
0x2d: {  	[sflag:s4] =	ssyncadd.s32 $0xFFFFE000;
	s18 =	sor.u32 $0x20, s15  }
0x2e: {  	s14 =	smul.u32 $0x8100, s14;
	v3 =	vld [tilespmem:s18+$0x10]  }
0x2f: {  	s30 =	sand.u32 $0x1, s11;
	v2 =	vld [tilespmem:s18+$0xFFFFFFF0]  }
0x30: {  	s15 =	smul.u32 $0x8100, s30;
	s14 =	sshrl.u32 s14, $0x2;
	v0 =	vld [tilespmem:s18+$0x0]  }
0x31: {  	v1 =	vld [tilespmem:s18+$0xFFFFFFE0];
	s16 =	sor.u32 $0x4000, s14  }
0x32: {  	s31 =	sshrl.u32 s15, $0x2;
	s15 =	sadd.s32 $0x0, s16  }
0x33: {  	s17 =	simm.s32 $0x4;
	s18 =	sadd.s32 $0x40, s18;
	s14 =	sor.u32 $0x4000, s31;
	[tilespmem:s15+$0x1830 ss:$0x81] =	vst.msk $0xffff, v3  }
.LBB1_3:
0x34: {  	v3 =	vld [tilespmem:s18+$0x10];
	p1 =	sne.s32 s17, $0x1FC;
	[tilespmem:s15+$0x810 ss:$0x81] =	vst.msk $0xffff, v2;
	s19 =	smov.u32 s17;
	s17 =	sadd.s32 $0x4, s17  }
.Ltmp3:
0x35: {  	v2 =	vld [tilespmem:s18+$0xFFFFFFF0];
	[tilespmem:s15+$0x1020 ss:$0x81] =	vst.msk $0xffff, v0;
	(pc) =	sbr.rel @p1 .LBB1_3-.Ltmp3, $4  }
0x36: {  	v0 =	vld [tilespmem:s18+$0x0];
	[tilespmem:s15+$0x0 ss:$0x81] =	vst.msk $0xffff, v1  }
0x37: {  	s15 =	sshra.s32 s19, $0x2;
	v1 =	vld [tilespmem:s18+$0xFFFFFFE0]  }
0x38: {  	s15 =	sadd.s32 s15, s16  }
0x39: {  	s18 =	sadd.s32 $0x40, s18;
	[tilespmem:s15+$0x1830 ss:$0x81] =	vst.msk $0xffff, v3  }
.Ltmp4:
0x3a: {  	_ = 	snop;
	(pc) =	sbr.rel .LBB1_4-.Ltmp4, $1  }
0x3b: {  	_ =	sdelay $0x3  }
.LBB1_6:
0x3c: {  	_ =	sfence.sel $0x180000  }
0x3d: {  	s2 =	simm.s32 $0x1;
	[bflag:$0x0] =	sbarrier.arrive $0xFFFF  }
0x3e: {  	s31 =	simm.s32 $0x2;
	[sflag:s2] =	ssyncpa.u1 $0x1  }
0x3f: {  	[sflag:s31] =	ssyncpa.u1 $0x1  }
0x40: {  	p0 =	sne.s32 s0, $0x0;
	_ =	strace $0x9000004A  }
0x41: {  	s0 =	sadd.s32 @!p0 $0x100000, s1;
	[bflag:$0x2] =	sbarrier.arrive $0xFFFF  }
0x42: {  	[sflag:s0] =	ssyncadd.tile.s32 @!p0 $0x1;
	_ =	shalt  }
.Lfunc_end1:
_tile_overlayer_lowered:
.L_overlay_start_2:
0x43: {  	(tag) =	ssettag $0x2  }
0x44: {  	s0 =	rddreg [dreg:$0x0];
	s2 =	stileid.u32  }
0x45: {  	s1 =	rddreg [dreg:$0x1];
	p0 =	sne.s32 s2, $0x0  }
0x46: {  	s3 =	rddreg [dreg:$0x2];
	[bflag:$0x3] =	sbarrier.arrive $0xFFFF;
	s2 =	simm.s32 @!p0 $0x1C01  }
0x47: {  	[timem:s3], [sflag:s2] =	dma.local @!p0 [hbm:s0], s1  }
0x48: {  	s0 =	simm.s32 @!p0 $0x1  }
0x49: {  	_ =	swait.ge @!p0 [sflag:s0], s1  }
0x4a: {  	s1 =	ssub.s32 @!p0 $0x0, s1;
	[sflag:s0] =	ssyncset.done @!p0 $0x0  }
0x4b: {  	[sflag:s0] =	ssyncadd.s32 @!p0 s1  }
0x4c: {  	[bflag:$0x3] =	sbarrier.arrive $0xFFFF  }
0x4d: {  	_ =	shalt  }

</sc_bundles>
